<compile_context>
chip_gen: v7x
topology: tpu7x:2x2x1
jax: 0.10.2.dev20260603
libtpu: 0.0.44.dev20260713+nightly
codegen_flags: <defaults>
</compile_context>

<pallas_src>
import functools

import jax
import jax.numpy as jnp
from jax import lax
from jax.experimental import pallas as pl
from jax.experimental.pallas import tpu as pltpu
from jax.experimental.pallas import tpu_sc as plsc

BATCH = 16384
EMBED_DIM = 64
NUM_ROWS = 100000
TBLK = 2048
TGRID = pl.cdiv(NUM_ROWS, TBLK)
PAD_ROWS = TGRID * TBLK

NC = 2
NS = 16
NW = NC * NS
B_PER_W = BATCH // NW
CHUNK = 128
N_CHUNKS = B_PER_W // CHUNK
GROUP = 16
GROUPS_PER_CHUNK = CHUNK // GROUP


def _pack_body(t_ref, out_ref):
    eye = (lax.broadcasted_iota(jnp.int32, (EMBED_DIM, EMBED_DIM), 0) ==
           lax.broadcasted_iota(jnp.int32, (EMBED_DIM, EMBED_DIM), 1)
           ).astype(jnp.float32)
    t = lax.dot_general(t_ref[...], eye, (((0,), (0,)), ((), ())),
                        preferred_element_type=jnp.float32)
    out_ref[:, 0:EMBED_DIM] = t
    out_ref[:, EMBED_DIM:2 * EMBED_DIM] = jnp.zeros(
        (TBLK, EMBED_DIM), jnp.float32)


def _pack(table_t):
    return pl.pallas_call(
        _pack_body,
        grid=(TGRID,),
        in_specs=[pl.BlockSpec((EMBED_DIM, TBLK), lambda j: (0, j))],
        out_specs=pl.BlockSpec((TBLK, 2 * EMBED_DIM), lambda j: (j, 0)),
        out_shape=jax.ShapeDtypeStruct((PAD_ROWS, 2 * EMBED_DIM), jnp.float32),
        compiler_params=pltpu.CompilerParams(fuse_transposed_lhs_in_matmul=True),
    )(table_t)


def _body(uid_hbm, aid_hbm, ut_hbm, at_hbm, out_hbm,
          uidx_v, aidx_v, ubuf_v, abuf_v, out_v, sem):
    wid = lax.axis_index("s") * NC + lax.axis_index("c")
    base = wid * B_PER_W

    pltpu.sync_copy(uid_hbm.at[pl.ds(base, B_PER_W)], uidx_v)
    pltpu.sync_copy(aid_hbm.at[pl.ds(base, B_PER_W)], aidx_v)

    lane = lax.iota(jnp.int32, 16)

    def chunk_step(c, carry):
        csl = pl.ds(c * CHUNK, CHUNK)
        cu = pltpu.async_copy(ut_hbm.at[uidx_v.at[csl]], ubuf_v, sem)
        ca = pltpu.async_copy(at_hbm.at[aidx_v.at[csl]], abuf_v, sem)
        cu.wait()
        ca.wait()

        def group_step(g, carry2):
            row = g * GROUP + lane
            d = lane
            acc = plsc.load_gather(ubuf_v, [row, d]) * plsc.load_gather(
                abuf_v, [row, d])
            for _ in range(1, EMBED_DIM):
                d = (d + 1) & (EMBED_DIM - 1)
                acc = acc + plsc.load_gather(ubuf_v, [row, d]) * (
                    plsc.load_gather(abuf_v, [row, d]))
            out_v[pl.ds(c * CHUNK + g * GROUP, 16)] = 1.0 / (1.0 + jnp.exp(-acc))
            return carry2

        lax.fori_loop(0, GROUPS_PER_CHUNK, group_step, 0)
        return carry

    lax.fori_loop(0, N_CHUNKS, chunk_step, 0)

    pltpu.sync_copy(out_v, out_hbm.at[pl.ds(base, B_PER_W)])


@jax.jit
def _run(user_ids, anime_ids, user_table, anime_table):
    ut2 = _pack(user_table.T)
    at2 = _pack(anime_table.T)
    mesh = plsc.VectorSubcoreMesh(core_axis_name="c", subcore_axis_name="s")
    k = functools.partial(
        pl.kernel,
        mesh=mesh,
        compiler_params=pltpu.CompilerParams(
            needs_layout_passes=False, use_tc_tiling_on_sc=True),
        out_type=jax.ShapeDtypeStruct((BATCH,), jnp.float32),
        scratch_types=[
            pltpu.VMEM((B_PER_W,), jnp.int32),
            pltpu.VMEM((B_PER_W,), jnp.int32),
            pltpu.VMEM((CHUNK, 2 * EMBED_DIM), jnp.float32),
            pltpu.VMEM((CHUNK, 2 * EMBED_DIM), jnp.float32),
            pltpu.VMEM((B_PER_W,), jnp.float32),
            pltpu.SemaphoreType.DMA,
        ],
    )(_body)
    return k(user_ids, anime_ids, ut2, at2)


def kernel(user_ids, anime_ids, user_table, anime_table):
    return _run(jnp.asarray(user_ids, jnp.int32), jnp.asarray(anime_ids, jnp.int32),
                user_table, anime_table)

# --- scband reference (transcript-rebuilt; emitter-appended) ---
"""Pipeline reference for scband-recommender-model-17592186044700 (READ-ONLY COPY).

The authoritative reference and input builder live on the scoring server;
editing this copy changes nothing except your own understanding.
"""

import jax, jax.numpy as jnp
import numpy as np

NUM_USERS = 100000
NUM_ANIME = 100000
EMBED_DIM = 64
BATCH = 16384

def setup_inputs(seed: int = 0) -> dict:
    key = jax.random.key(seed)
    k1, k2, k3, k4 = jax.random.split(key, 4)
    user_ids = jax.random.randint(k1, (BATCH,), 0, NUM_USERS, dtype=jnp.int64 if jax.config.jax_enable_x64 else jnp.int32)
    anime_ids = jax.random.randint(k2, (BATCH,), 0, NUM_ANIME, dtype=jnp.int64 if jax.config.jax_enable_x64 else jnp.int32)
    user_table = jax.random.normal(k3, (NUM_USERS, EMBED_DIM), dtype=jnp.float32)
    anime_table = jax.random.normal(k4, (NUM_ANIME, EMBED_DIM), dtype=jnp.float32)
    return {"user_ids": user_ids, "anime_ids": anime_ids, "user_table": user_table, "anime_table": anime_table}

def reference(user_ids, anime_ids, user_table, anime_table):
    user_vec = jnp.take(user_table, user_ids, axis=0)
    anime_vec = jnp.take(anime_table, anime_ids, axis=0)
    dot = jnp.sum(user_vec * anime_vec, axis=1)
    return jax.nn.sigmoid(dot)

if __name__ == "__main__":
    import jax
    _d = setup_inputs()
    print(jax.jit(kernel)(*tuple(_d.values())))

</pallas_src>

<mosaic_0001>
#map = affine_map<(d0, d1) -> (0)>
#map1 = affine_map<(d0, d1) -> (0, 0)>
module attributes {stable_mosaic.version = 14 : i64} {
  func.func @_body(%arg0: i32, %arg1: i32, %arg2: memref<16384xi32, #tpu.memory_space<hbm>>, %arg3: memref<16384xi32, #tpu.memory_space<hbm>>, %arg4: memref<100352x128xf32, #tpu.memory_space<hbm>>, %arg5: memref<100352x128xf32, #tpu.memory_space<hbm>>, %arg6: memref<16384xf32, #tpu.memory_space<hbm>>, %arg7: memref<512xi32, #tpu.memory_space<vmem>>, %arg8: memref<512xi32, #tpu.memory_space<vmem>>, %arg9: memref<128x128xf32, #tpu.memory_space<vmem>>, %arg10: memref<128x128xf32, #tpu.memory_space<vmem>>, %arg11: memref<512xf32, #tpu.memory_space<vmem>>, %arg12: memref<!tpu.dma_semaphore, #tpu.memory_space<semaphore_mem>>) attributes {dimension_semantics = [#tpu.dimension_semantics<core_parallel>, #tpu.dimension_semantics<subcore_parallel>], iteration_bounds = array<i64: 2, 16>, scalar_prefetch = 0 : i64, scratch_operands = 6 : i64, tpu.core_type = #tpu.core_type<sc_vector_subcore>, window_params = [{transform_indices = #map}, {transform_indices = #map}, {transform_indices = #map1}, {transform_indices = #map1}, {transform_indices = #map}]} {
    %mul3A = arith.constant 2 : i32
    %mul3A_0 = arith.muli %arg1, %mul3A : i32
    %add3A = arith.addi %mul3A_0, %arg0 : i32
    %mul3A_1 = arith.constant 512 : i32
    %mul3A_2 = arith.muli %add3A, %mul3A_1 : i32
    "tpu.region"() ({
      %run_scoped3A = tpu.sem_alloc : memref<!tpu.dma_semaphore, #tpu.memory_space<semaphore_mem>>
      %dma_start3A = tpu.memref_slice %arg2[%mul3A_2] : memref<16384xi32, #tpu.memory_space<hbm>> -> memref<512xi32, #tpu.memory_space<hbm>>
      %dma_start3A_8 = tpu.memref_slice %arg2[%mul3A_2] : memref<16384xi32, #tpu.memory_space<hbm>> -> memref<512xi32, #tpu.memory_space<hbm>>
      tpu.enqueue_dma source(%dma_start3A_8 : memref<512xi32, #tpu.memory_space<hbm>>) target(%arg7 : memref<512xi32, #tpu.memory_space<vmem>>) target_semaphore(%run_scoped3A : memref<!tpu.dma_semaphore, #tpu.memory_space<semaphore_mem>>)
      %dma_wait3A = tpu.memref_slice %arg2[%mul3A_2] : memref<16384xi32, #tpu.memory_space<hbm>> -> memref<512xi32, #tpu.memory_space<hbm>>
      %dma_wait3A_9 = tpu.memref_slice %arg2[%mul3A_2] : memref<16384xi32, #tpu.memory_space<hbm>> -> memref<512xi32, #tpu.memory_space<hbm>>
      tpu.wait_dma2 semaphore(%run_scoped3A : memref<!tpu.dma_semaphore, #tpu.memory_space<semaphore_mem>>) src(%dma_wait3A_9 : memref<512xi32, #tpu.memory_space<hbm>>) dst(%arg7 : memref<512xi32, #tpu.memory_space<vmem>>)
      tpu.yield
    }) : () -> ()
    "tpu.region"() ({
      %run_scoped3A = tpu.sem_alloc : memref<!tpu.dma_semaphore, #tpu.memory_space<semaphore_mem>>
      %dma_start3A = tpu.memref_slice %arg3[%mul3A_2] : memref<16384xi32, #tpu.memory_space<hbm>> -> memref<512xi32, #tpu.memory_space<hbm>>
      %dma_start3A_8 = tpu.memref_slice %arg3[%mul3A_2] : memref<16384xi32, #tpu.memory_space<hbm>> -> memref<512xi32, #tpu.memory_space<hbm>>
      tpu.enqueue_dma source(%dma_start3A_8 : memref<512xi32, #tpu.memory_space<hbm>>) target(%arg8 : memref<512xi32, #tpu.memory_space<vmem>>) target_semaphore(%run_scoped3A : memref<!tpu.dma_semaphore, #tpu.memory_space<semaphore_mem>>)
      %dma_wait3A = tpu.memref_slice %arg3[%mul3A_2] : memref<16384xi32, #tpu.memory_space<hbm>> -> memref<512xi32, #tpu.memory_space<hbm>>
      %dma_wait3A_9 = tpu.memref_slice %arg3[%mul3A_2] : memref<16384xi32, #tpu.memory_space<hbm>> -> memref<512xi32, #tpu.memory_space<hbm>>
      tpu.wait_dma2 semaphore(%run_scoped3A : memref<!tpu.dma_semaphore, #tpu.memory_space<semaphore_mem>>) src(%dma_wait3A_9 : memref<512xi32, #tpu.memory_space<hbm>>) dst(%arg8 : memref<512xi32, #tpu.memory_space<vmem>>)
      tpu.yield
    }) : () -> ()
    %iota3A = tpu.iota {dimensions = array<i32: 0>} : vector<16xi32>
    %scan3A = arith.constant 0 : i32
    %scan3A_3 = arith.constant 0 : i32
    %scan3A_4 = arith.constant 4 : i32
    %scan3A_5 = arith.addi %scan3A_3, %scan3A_4 : i32
    %scan3A_6 = arith.constant 1 : i32
    scf.for %scan3A_8 = %scan3A_3 to %scan3A_5 step %scan3A_6  : i32 {
      %mul3A_9 = arith.constant 128 : i32
      %mul3A_10 = arith.muli %scan3A_8, %mul3A_9 : i32
      %dma_start3A = tpu.memref_slice %arg7[%mul3A_10] : memref<512xi32, #tpu.memory_space<vmem>> -> memref<128xi32, #tpu.memory_space<vmem>>
      %dma_start3A_11 = arith.constant 0 : i32
      %dma_start3A_12 = arith.constant 0 : i32
      %dma_start3A_13 = tpu.memref_slice %arg4[%dma_start3A_11, %dma_start3A_12] : memref<100352x128xf32, #tpu.memory_space<hbm>> -> memref<100352x128xf32, #tpu.memory_space<hbm>>
      tpu.enqueue_indirect_dma source(%dma_start3A_13 : memref<100352x128xf32, #tpu.memory_space<hbm>>) target(%arg9 : memref<128x128xf32, #tpu.memory_space<vmem>>) offsets(%dma_start3A : memref<128xi32, #tpu.memory_space<vmem>>) semaphore(%arg12 : memref<!tpu.dma_semaphore, #tpu.memory_space<semaphore_mem>>)
      %dma_start3A_14 = tpu.memref_slice %arg8[%mul3A_10] : memref<512xi32, #tpu.memory_space<vmem>> -> memref<128xi32, #tpu.memory_space<vmem>>
      %dma_start3A_15 = arith.constant 0 : i32
      %dma_start3A_16 = arith.constant 0 : i32
      %dma_start3A_17 = tpu.memref_slice %arg5[%dma_start3A_15, %dma_start3A_16] : memref<100352x128xf32, #tpu.memory_space<hbm>> -> memref<100352x128xf32, #tpu.memory_space<hbm>>
      tpu.enqueue_indirect_dma source(%dma_start3A_17 : memref<100352x128xf32, #tpu.memory_space<hbm>>) target(%arg10 : memref<128x128xf32, #tpu.memory_space<vmem>>) offsets(%dma_start3A_14 : memref<128xi32, #tpu.memory_space<vmem>>) semaphore(%arg12 : memref<!tpu.dma_semaphore, #tpu.memory_space<semaphore_mem>>)
      %dma_wait3A = tpu.memref_slice %arg7[%mul3A_10] : memref<512xi32, #tpu.memory_space<vmem>> -> memref<128xi32, #tpu.memory_space<vmem>>
      %dma_wait3A_18 = arith.constant 0 : i32
      %dma_wait3A_19 = arith.constant 0 : i32
      %dma_wait3A_20 = tpu.memref_slice %arg4[%dma_wait3A_18, %dma_wait3A_19] : memref<100352x128xf32, #tpu.memory_space<hbm>> -> memref<100352x128xf32, #tpu.memory_space<hbm>>
      tpu.wait_indirect_dma semaphore(%arg12 : memref<!tpu.dma_semaphore, #tpu.memory_space<semaphore_mem>>) src(%dma_wait3A_20 : memref<100352x128xf32, #tpu.memory_space<hbm>>) dst(%arg9 : memref<128x128xf32, #tpu.memory_space<vmem>>)
      %dma_wait3A_21 = tpu.memref_slice %arg8[%mul3A_10] : memref<512xi32, #tpu.memory_space<vmem>> -> memref<128xi32, #tpu.memory_space<vmem>>
      %dma_wait3A_22 = arith.constant 0 : i32
      %dma_wait3A_23 = arith.constant 0 : i32
      %dma_wait3A_24 = tpu.memref_slice %arg5[%dma_wait3A_22, %dma_wait3A_23] : memref<100352x128xf32, #tpu.memory_space<hbm>> -> memref<100352x128xf32, #tpu.memory_space<hbm>>
      tpu.wait_indirect_dma semaphore(%arg12 : memref<!tpu.dma_semaphore, #tpu.memory_space<semaphore_mem>>) src(%dma_wait3A_24 : memref<100352x128xf32, #tpu.memory_space<hbm>>) dst(%arg10 : memref<128x128xf32, #tpu.memory_space<vmem>>)
      %scan3A_25 = arith.constant 0 : i32
      %scan3A_26 = arith.constant 0 : i32
      %scan3A_27 = arith.constant 8 : i32
      %scan3A_28 = arith.addi %scan3A_26, %scan3A_27 : i32
      %scan3A_29 = arith.constant 1 : i32
      scf.for %scan3A_31 = %scan3A_26 to %scan3A_28 step %scan3A_29  : i32 {
        %mul3A_32 = arith.constant 16 : i32
        %mul3A_33 = arith.muli %scan3A_31, %mul3A_32 : i32
        %add3A_34 = vector.broadcast %mul3A_33 : i32 to vector<16xi32>
        %add3A_35 = arith.addi %add3A_34, %iota3A : vector<16xi32>
        %gather3A = tpu.vector_load_idx %arg9[%add3A_35, %iota3A] : memref<128x128xf32, #tpu.memory_space<vmem>>[vector<16xi32>, vector<16xi32>], vector<16xf32>,
        %gather3A_36 = tpu.vector_load_idx %arg10[%add3A_35, %iota3A] : memref<128x128xf32, #tpu.memory_space<vmem>>[vector<16xi32>, vector<16xi32>], vector<16xf32>,
        %mul3A_37 = arith.mulf %gather3A, %gather3A_36 : vector<16xf32>
        %add3A_38 = arith.constant 1 : i32
        %add3A_39 = vector.broadcast %add3A_38 : i32 to vector<16xi32>
        %add3A_40 = arith.addi %iota3A, %add3A_39 : vector<16xi32>
        %and3A = arith.constant 63 : i32
        %and3A_41 = vector.broadcast %and3A : i32 to vector<16xi32>
        %and3A_42 = arith.andi %add3A_40, %and3A_41 : vector<16xi32>
        %gather3A_43 = tpu.vector_load_idx %arg9[%add3A_35, %and3A_42] : memref<128x128xf32, #tpu.memory_space<vmem>>[vector<16xi32>, vector<16xi32>], vector<16xf32>,
        %gather3A_44 = tpu.vector_load_idx %arg10[%add3A_35, %and3A_42] : memref<128x128xf32, #tpu.memory_space<vmem>>[vector<16xi32>, vector<16xi32>], vector<16xf32>,
        %mul3A_45 = arith.mulf %gather3A_43, %gather3A_44 : vector<16xf32>
        %add3A_46 = arith.addf %mul3A_37, %mul3A_45 : vector<16xf32>
        %add3A_47 = arith.constant 1 : i32
        %add3A_48 = vector.broadcast %add3A_47 : i32 to vector<16xi32>
        %add3A_49 = arith.addi %and3A_42, %add3A_48 : vector<16xi32>
        %and3A_50 = arith.constant 63 : i32
        %and3A_51 = vector.broadcast %and3A_50 : i32 to vector<16xi32>
        %and3A_52 = arith.andi %add3A_49, %and3A_51 : vector<16xi32>
        %gather3A_53 = tpu.vector_load_idx %arg9[%add3A_35, %and3A_52] : memref<128x128xf32, #tpu.memory_space<vmem>>[vector<16xi32>, vector<16xi32>], vector<16xf32>,
        %gather3A_54 = tpu.vector_load_idx %arg10[%add3A_35, %and3A_52] : memref<128x128xf32, #tpu.memory_space<vmem>>[vector<16xi32>, vector<16xi32>], vector<16xf32>,
        %mul3A_55 = arith.mulf %gather3A_53, %gather3A_54 : vector<16xf32>
        %add3A_56 = arith.addf %add3A_46, %mul3A_55 : vector<16xf32>
        %add3A_57 = arith.constant 1 : i32
        %add3A_58 = vector.broadcast %add3A_57 : i32 to vector<16xi32>
        %add3A_59 = arith.addi %and3A_52, %add3A_58 : vector<16xi32>
        %and3A_60 = arith.constant 63 : i32
        %and3A_61 = vector.broadcast %and3A_60 : i32 to vector<16xi32>
        %and3A_62 = arith.andi %add3A_59, %and3A_61 : vector<16xi32>
        %gather3A_63 = tpu.vector_load_idx %arg9[%add3A_35, %and3A_62] : memref<128x128xf32, #tpu.memory_space<vmem>>[vector<16xi32>, vector<16xi32>], vector<16xf32>,
        %gather3A_64 = tpu.vector_load_idx %arg10[%add3A_35, %and3A_62] : memref<128x128xf32, #tpu.memory_space<vmem>>[vector<16xi32>, vector<16xi32>], vector<16xf32>,
        %mul3A_65 = arith.mulf %gather3A_63, %gather3A_64 : vector<16xf32>
        %add3A_66 = arith.addf %add3A_56, %mul3A_65 : vector<16xf32>
        %add3A_67 = arith.constant 1 : i32
        %add3A_68 = vector.broadcast %add3A_67 : i32 to vector<16xi32>
        %add3A_69 = arith.addi %and3A_62, %add3A_68 : vector<16xi32>
        %and3A_70 = arith.constant 63 : i32
        %and3A_71 = vector.broadcast %and3A_70 : i32 to vector<16xi32>
        %and3A_72 = arith.andi %add3A_69, %and3A_71 : vector<16xi32>
        %gather3A_73 = tpu.vector_load_idx %arg9[%add3A_35, %and3A_72] : memref<128x128xf32, #tpu.memory_space<vmem>>[vector<16xi32>, vector<16xi32>], vector<16xf32>,
        %gather3A_74 = tpu.vector_load_idx %arg10[%add3A_35, %and3A_72] : memref<128x128xf32, #tpu.memory_space<vmem>>[vector<16xi32>, vector<16xi32>], vector<16xf32>,
        %mul3A_75 = arith.mulf %gather3A_73, %gather3A_74 : vector<16xf32>
        %add3A_76 = arith.addf %add3A_66, %mul3A_75 : vector<16xf32>
        %add3A_77 = arith.constant 1 : i32
        %add3A_78 = vector.broadcast %add3A_77 : i32 to vector<16xi32>
        %add3A_79 = arith.addi %and3A_72, %add3A_78 : vector<16xi32>
        %and3A_80 = arith.constant 63 : i32
        %and3A_81 = vector.broadcast %and3A_80 : i32 to vector<16xi32>
        %and3A_82 = arith.andi %add3A_79, %and3A_81 : vector<16xi32>
        %gather3A_83 = tpu.vector_load_idx %arg9[%add3A_35, %and3A_82] : memref<128x128xf32, #tpu.memory_space<vmem>>[vector<16xi32>, vector<16xi32>], vector<16xf32>,
        %gather3A_84 = tpu.vector_load_idx %arg10[%add3A_35, %and3A_82] : memref<128x128xf32, #tpu.memory_space<vmem>>[vector<16xi32>, vector<16xi32>], vector<16xf32>,
        %mul3A_85 = arith.mulf %gather3A_83, %gather3A_84 : vector<16xf32>
        %add3A_86 = arith.addf %add3A_76, %mul3A_85 : vector<16xf32>
        %add3A_87 = arith.constant 1 : i32
        %add3A_88 = vector.broadcast %add3A_87 : i32 to vector<16xi32>
        %add3A_89 = arith.addi %and3A_82, %add3A_88 : vector<16xi32>
        %and3A_90 = arith.constant 63 : i32
        %and3A_91 = vector.broadcast %and3A_90 : i32 to vector<16xi32>
        %and3A_92 = arith.andi %add3A_89, %and3A_91 : vector<16xi32>
        %gather3A_93 = tpu.vector_load_idx %arg9[%add3A_35, %and3A_92] : memref<128x128xf32, #tpu.memory_space<vmem>>[vector<16xi32>, vector<16xi32>], vector<16xf32>,
        %gather3A_94 = tpu.vector_load_idx %arg10[%add3A_35, %and3A_92] : memref<128x128xf32, #tpu.memory_space<vmem>>[vector<16xi32>, vector<16xi32>], vector<16xf32>,
        %mul3A_95 = arith.mulf %gather3A_93, %gather3A_94 : vector<16xf32>
        %add3A_96 = arith.addf %add3A_86, %mul3A_95 : vector<16xf32>
        %add3A_97 = arith.constant 1 : i32
        %add3A_98 = vector.broadcast %add3A_97 : i32 to vector<16xi32>
        %add3A_99 = arith.addi %and3A_92, %add3A_98 : vector<16xi32>
        %and3A_100 = arith.constant 63 : i32
        %and3A_101 = vector.broadcast %and3A_100 : i32 to vector<16xi32>
        %and3A_102 = arith.andi %add3A_99, %and3A_101 : vector<16xi32>
        %gather3A_103 = tpu.vector_load_idx %arg9[%add3A_35, %and3A_102] : memref<128x128xf32, #tpu.memory_space<vmem>>[vector<16xi32>, vector<16xi32>], vector<16xf32>,
        %gather3A_104 = tpu.vector_load_idx %arg10[%add3A_35, %and3A_102] : memref<128x128xf32, #tpu.memory_space<vmem>>[vector<16xi32>, vector<16xi32>], vector<16xf32>,
        %mul3A_105 = arith.mulf %gather3A_103, %gather3A_104 : vector<16xf32>
        %add3A_106 = arith.addf %add3A_96, %mul3A_105 : vector<16xf32>
        %add3A_107 = arith.constant 1 : i32
        %add3A_108 = vector.broadcast %add3A_107 : i32 to vector<16xi32>
        %add3A_109 = arith.addi %and3A_102, %add3A_108 : vector<16xi32>
        %and3A_110 = arith.constant 63 : i32
        %and3A_111 = vector.broadcast %and3A_110 : i32 to vector<16xi32>
        %and3A_112 = arith.andi %add3A_109, %and3A_111 : vector<16xi32>
        %gather3A_113 = tpu.vector_load_idx %arg9[%add3A_35, %and3A_112] : memref<128x128xf32, #tpu.memory_space<vmem>>[vector<16xi32>, vector<16xi32>], vector<16xf32>,
        %gather3A_114 = tpu.vector_load_idx %arg10[%add3A_35, %and3A_112] : memref<128x128xf32, #tpu.memory_space<vmem>>[vector<16xi32>, vector<16xi32>], vector<16xf32>,
        %mul3A_115 = arith.mulf %gather3A_113, %gather3A_114 : vector<16xf32>
        %add3A_116 = arith.addf %add3A_106, %mul3A_115 : vector<16xf32>
        %add3A_117 = arith.constant 1 : i32
        %add3A_118 = vector.broadcast %add3A_117 : i32 to vector<16xi32>
        %add3A_119 = arith.addi %and3A_112, %add3A_118 : vector<16xi32>
        %and3A_120 = arith.constant 63 : i32
        %and3A_121 = vector.broadcast %and3A_120 : i32 to vector<16xi32>
        %and3A_122 = arith.andi %add3A_119, %and3A_121 : vector<16xi32>
        %gather3A_123 = tpu.vector_load_idx %arg9[%add3A_35, %and3A_122] : memref<128x128xf32, #tpu.memory_space<vmem>>[vector<16xi32>, vector<16xi32>], vector<16xf32>,
        %gather3A_124 = tpu.vector_load_idx %arg10[%add3A_35, %and3A_122] : memref<128x128xf32, #tpu.memory_space<vmem>>[vector<16xi32>, vector<16xi32>], vector<16xf32>,
        %mul3A_125 = arith.mulf %gather3A_123, %gather3A_124 : vector<16xf32>
        %add3A_126 = arith.addf %add3A_116, %mul3A_125 : vector<16xf32>
        %add3A_127 = arith.constant 1 : i32
        %add3A_128 = vector.broadcast %add3A_127 : i32 to vector<16xi32>
        %add3A_129 = arith.addi %and3A_122, %add3A_128 : vector<16xi32>
        %and3A_130 = arith.constant 63 : i32
        %and3A_131 = vector.broadcast %and3A_130 : i32 to vector<16xi32>
        %and3A_132 = arith.andi %add3A_129, %and3A_131 : vector<16xi32>
        %gather3A_133 = tpu.vector_load_idx %arg9[%add3A_35, %and3A_132] : memref<128x128xf32, #tpu.memory_space<vmem>>[vector<16xi32>, vector<16xi32>], vector<16xf32>,
        %gather3A_134 = tpu.vector_load_idx %arg10[%add3A_35, %and3A_132] : memref<128x128xf32, #tpu.memory_space<vmem>>[vector<16xi32>, vector<16xi32>], vector<16xf32>,
        %mul3A_135 = arith.mulf %gather3A_133, %gather3A_134 : vector<16xf32>
        %add3A_136 = arith.addf %add3A_126, %mul3A_135 : vector<16xf32>
        %add3A_137 = arith.constant 1 : i32
        %add3A_138 = vector.broadcast %add3A_137 : i32 to vector<16xi32>
        %add3A_139 = arith.addi %and3A_132, %add3A_138 : vector<16xi32>
        %and3A_140 = arith.constant 63 : i32
        %and3A_141 = vector.broadcast %and3A_140 : i32 to vector<16xi32>
        %and3A_142 = arith.andi %add3A_139, %and3A_141 : vector<16xi32>
        %gather3A_143 = tpu.vector_load_idx %arg9[%add3A_35, %and3A_142] : memref<128x128xf32, #tpu.memory_space<vmem>>[vector<16xi32>, vector<16xi32>], vector<16xf32>,
        %gather3A_144 = tpu.vector_load_idx %arg10[%add3A_35, %and3A_142] : memref<128x128xf32, #tpu.memory_space<vmem>>[vector<16xi32>, vector<16xi32>], vector<16xf32>,
        %mul3A_145 = arith.mulf %gather3A_143, %gather3A_144 : vector<16xf32>
        %add3A_146 = arith.addf %add3A_136, %mul3A_145 : vector<16xf32>
        %add3A_147 = arith.constant 1 : i32
        %add3A_148 = vector.broadcast %add3A_147 : i32 to vector<16xi32>
        %add3A_149 = arith.addi %and3A_142, %add3A_148 : vector<16xi32>
        %and3A_150 = arith.constant 63 : i32
        %and3A_151 = vector.broadcast %and3A_150 : i32 to vector<16xi32>
        %and3A_152 = arith.andi %add3A_149, %and3A_151 : vector<16xi32>
        %gather3A_153 = tpu.vector_load_idx %arg9[%add3A_35, %and3A_152] : memref<128x128xf32, #tpu.memory_space<vmem>>[vector<16xi32>, vector<16xi32>], vector<16xf32>,
        %gather3A_154 = tpu.vector_load_idx %arg10[%add3A_35, %and3A_152] : memref<128x128xf32, #tpu.memory_space<vmem>>[vector<16xi32>, vector<16xi32>], vector<16xf32>,
        %mul3A_155 = arith.mulf %gather3A_153, %gather3A_154 : vector<16xf32>
        %add3A_156 = arith.addf %add3A_146, %mul3A_155 : vector<16xf32>
        %add3A_157 = arith.constant 1 : i32
        %add3A_158 = vector.broadcast %add3A_157 : i32 to vector<16xi32>
        %add3A_159 = arith.addi %and3A_152, %add3A_158 : vector<16xi32>
        %and3A_160 = arith.constant 63 : i32
        %and3A_161 = vector.broadcast %and3A_160 : i32 to vector<16xi32>
        %and3A_162 = arith.andi %add3A_159, %and3A_161 : vector<16xi32>
        %gather3A_163 = tpu.vector_load_idx %arg9[%add3A_35, %and3A_162] : memref<128x128xf32, #tpu.memory_space<vmem>>[vector<16xi32>, vector<16xi32>], vector<16xf32>,
        %gather3A_164 = tpu.vector_load_idx %arg10[%add3A_35, %and3A_162] : memref<128x128xf32, #tpu.memory_space<vmem>>[vector<16xi32>, vector<16xi32>], vector<16xf32>,
        %mul3A_165 = arith.mulf %gather3A_163, %gather3A_164 : vector<16xf32>
        %add3A_166 = arith.addf %add3A_156, %mul3A_165 : vector<16xf32>
        %add3A_167 = arith.constant 1 : i32
        %add3A_168 = vector.broadcast %add3A_167 : i32 to vector<16xi32>
        %add3A_169 = arith.addi %and3A_162, %add3A_168 : vector<16xi32>
        %and3A_170 = arith.constant 63 : i32
        %and3A_171 = vector.broadcast %and3A_170 : i32 to vector<16xi32>
        %and3A_172 = arith.andi %add3A_169, %and3A_171 : vector<16xi32>
        %gather3A_173 = tpu.vector_load_idx %arg9[%add3A_35, %and3A_172] : memref<128x128xf32, #tpu.memory_space<vmem>>[vector<16xi32>, vector<16xi32>], vector<16xf32>,
        %gather3A_174 = tpu.vector_load_idx %arg10[%add3A_35, %and3A_172] : memref<128x128xf32, #tpu.memory_space<vmem>>[vector<16xi32>, vector<16xi32>], vector<16xf32>,
        %mul3A_175 = arith.mulf %gather3A_173, %gather3A_174 : vector<16xf32>
        %add3A_176 = arith.addf %add3A_166, %mul3A_175 : vector<16xf32>
        %add3A_177 = arith.constant 1 : i32
        %add3A_178 = vector.broadcast %add3A_177 : i32 to vector<16xi32>
        %add3A_179 = arith.addi %and3A_172, %add3A_178 : vector<16xi32>
        %and3A_180 = arith.constant 63 : i32
        %and3A_181 = vector.broadcast %and3A_180 : i32 to vector<16xi32>
        %and3A_182 = arith.andi %add3A_179, %and3A_181 : vector<16xi32>
        %gather3A_183 = tpu.vector_load_idx %arg9[%add3A_35, %and3A_182] : memref<128x128xf32, #tpu.memory_space<vmem>>[vector<16xi32>, vector<16xi32>], vector<16xf32>,
        %gather3A_184 = tpu.vector_load_idx %arg10[%add3A_35, %and3A_182] : memref<128x128xf32, #tpu.memory_space<vmem>>[vector<16xi32>, vector<16xi32>], vector<16xf32>,
        %mul3A_185 = arith.mulf %gather3A_183, %gather3A_184 : vector<16xf32>
        %add3A_186 = arith.addf %add3A_176, %mul3A_185 : vector<16xf32>
        %add3A_187 = arith.constant 1 : i32
        %add3A_188 = vector.broadcast %add3A_187 : i32 to vector<16xi32>
        %add3A_189 = arith.addi %and3A_182, %add3A_188 : vector<16xi32>
        %and3A_190 = arith.constant 63 : i32
        %and3A_191 = vector.broadcast %and3A_190 : i32 to vector<16xi32>
        %and3A_192 = arith.andi %add3A_189, %and3A_191 : vector<16xi32>
        %gather3A_193 = tpu.vector_load_idx %arg9[%add3A_35, %and3A_192] : memref<128x128xf32, #tpu.memory_space<vmem>>[vector<16xi32>, vector<16xi32>], vector<16xf32>,
        %gather3A_194 = tpu.vector_load_idx %arg10[%add3A_35, %and3A_192] : memref<128x128xf32, #tpu.memory_space<vmem>>[vector<16xi32>, vector<16xi32>], vector<16xf32>,
        %mul3A_195 = arith.mulf %gather3A_193, %gather3A_194 : vector<16xf32>
        %add3A_196 = arith.addf %add3A_186, %mul3A_195 : vector<16xf32>
        %add3A_197 = arith.constant 1 : i32
        %add3A_198 = vector.broadcast %add3A_197 : i32 to vector<16xi32>
        %add3A_199 = arith.addi %and3A_192, %add3A_198 : vector<16xi32>
        %and3A_200 = arith.constant 63 : i32
        %and3A_201 = vector.broadcast %and3A_200 : i32 to vector<16xi32>
        %and3A_202 = arith.andi %add3A_199, %and3A_201 : vector<16xi32>
        %gather3A_203 = tpu.vector_load_idx %arg9[%add3A_35, %and3A_202] : memref<128x128xf32, #tpu.memory_space<vmem>>[vector<16xi32>, vector<16xi32>], vector<16xf32>,
        %gather3A_204 = tpu.vector_load_idx %arg10[%add3A_35, %and3A_202] : memref<128x128xf32, #tpu.memory_space<vmem>>[vector<16xi32>, vector<16xi32>], vector<16xf32>,
        %mul3A_205 = arith.mulf %gather3A_203, %gather3A_204 : vector<16xf32>
        %add3A_206 = arith.addf %add3A_196, %mul3A_205 : vector<16xf32>
        %add3A_207 = arith.constant 1 : i32
        %add3A_208 = vector.broadcast %add3A_207 : i32 to vector<16xi32>
        %add3A_209 = arith.addi %and3A_202, %add3A_208 : vector<16xi32>
        %and3A_210 = arith.constant 63 : i32
        %and3A_211 = vector.broadcast %and3A_210 : i32 to vector<16xi32>
        %and3A_212 = arith.andi %add3A_209, %and3A_211 : vector<16xi32>
        %gather3A_213 = tpu.vector_load_idx %arg9[%add3A_35, %and3A_212] : memref<128x128xf32, #tpu.memory_space<vmem>>[vector<16xi32>, vector<16xi32>], vector<16xf32>,
        %gather3A_214 = tpu.vector_load_idx %arg10[%add3A_35, %and3A_212] : memref<128x128xf32, #tpu.memory_space<vmem>>[vector<16xi32>, vector<16xi32>], vector<16xf32>,
        %mul3A_215 = arith.mulf %gather3A_213, %gather3A_214 : vector<16xf32>
        %add3A_216 = arith.addf %add3A_206, %mul3A_215 : vector<16xf32>
        %add3A_217 = arith.constant 1 : i32
        %add3A_218 = vector.broadcast %add3A_217 : i32 to vector<16xi32>
        %add3A_219 = arith.addi %and3A_212, %add3A_218 : vector<16xi32>
        %and3A_220 = arith.constant 63 : i32
        %and3A_221 = vector.broadcast %and3A_220 : i32 to vector<16xi32>
        %and3A_222 = arith.andi %add3A_219, %and3A_221 : vector<16xi32>
        %gather3A_223 = tpu.vector_load_idx %arg9[%add3A_35, %and3A_222] : memref<128x128xf32, #tpu.memory_space<vmem>>[vector<16xi32>, vector<16xi32>], vector<16xf32>,
        %gather3A_224 = tpu.vector_load_idx %arg10[%add3A_35, %and3A_222] : memref<128x128xf32, #tpu.memory_space<vmem>>[vector<16xi32>, vector<16xi32>], vector<16xf32>,
        %mul3A_225 = arith.mulf %gather3A_223, %gather3A_224 : vector<16xf32>
        %add3A_226 = arith.addf %add3A_216, %mul3A_225 : vector<16xf32>
        %add3A_227 = arith.constant 1 : i32
        %add3A_228 = vector.broadcast %add3A_227 : i32 to vector<16xi32>
        %add3A_229 = arith.addi %and3A_222, %add3A_228 : vector<16xi32>
        %and3A_230 = arith.constant 63 : i32
        %and3A_231 = vector.broadcast %and3A_230 : i32 to vector<16xi32>
        %and3A_232 = arith.andi %add3A_229, %and3A_231 : vector<16xi32>
        %gather3A_233 = tpu.vector_load_idx %arg9[%add3A_35, %and3A_232] : memref<128x128xf32, #tpu.memory_space<vmem>>[vector<16xi32>, vector<16xi32>], vector<16xf32>,
        %gather3A_234 = tpu.vector_load_idx %arg10[%add3A_35, %and3A_232] : memref<128x128xf32, #tpu.memory_space<vmem>>[vector<16xi32>, vector<16xi32>], vector<16xf32>,
        %mul3A_235 = arith.mulf %gather3A_233, %gather3A_234 : vector<16xf32>
        %add3A_236 = arith.addf %add3A_226, %mul3A_235 : vector<16xf32>
        %add3A_237 = arith.constant 1 : i32
        %add3A_238 = vector.broadcast %add3A_237 : i32 to vector<16xi32>
        %add3A_239 = arith.addi %and3A_232, %add3A_238 : vector<16xi32>
        %and3A_240 = arith.constant 63 : i32
        %and3A_241 = vector.broadcast %and3A_240 : i32 to vector<16xi32>
        %and3A_242 = arith.andi %add3A_239, %and3A_241 : vector<16xi32>
        %gather3A_243 = tpu.vector_load_idx %arg9[%add3A_35, %and3A_242] : memref<128x128xf32, #tpu.memory_space<vmem>>[vector<16xi32>, vector<16xi32>], vector<16xf32>,
        %gather3A_244 = tpu.vector_load_idx %arg10[%add3A_35, %and3A_242] : memref<128x128xf32, #tpu.memory_space<vmem>>[vector<16xi32>, vector<16xi32>], vector<16xf32>,
        %mul3A_245 = arith.mulf %gather3A_243, %gather3A_244 : vector<16xf32>
        %add3A_246 = arith.addf %add3A_236, %mul3A_245 : vector<16xf32>
        %add3A_247 = arith.constant 1 : i32
        %add3A_248 = vector.broadcast %add3A_247 : i32 to vector<16xi32>
        %add3A_249 = arith.addi %and3A_242, %add3A_248 : vector<16xi32>
        %and3A_250 = arith.constant 63 : i32
        %and3A_251 = vector.broadcast %and3A_250 : i32 to vector<16xi32>
        %and3A_252 = arith.andi %add3A_249, %and3A_251 : vector<16xi32>
        %gather3A_253 = tpu.vector_load_idx %arg9[%add3A_35, %and3A_252] : memref<128x128xf32, #tpu.memory_space<vmem>>[vector<16xi32>, vector<16xi32>], vector<16xf32>,
        %gather3A_254 = tpu.vector_load_idx %arg10[%add3A_35, %and3A_252] : memref<128x128xf32, #tpu.memory_space<vmem>>[vector<16xi32>, vector<16xi32>], vector<16xf32>,
        %mul3A_255 = arith.mulf %gather3A_253, %gather3A_254 : vector<16xf32>
        %add3A_256 = arith.addf %add3A_246, %mul3A_255 : vector<16xf32>
        %add3A_257 = arith.constant 1 : i32
        %add3A_258 = vector.broadcast %add3A_257 : i32 to vector<16xi32>
        %add3A_259 = arith.addi %and3A_252, %add3A_258 : vector<16xi32>
        %and3A_260 = arith.constant 63 : i32
        %and3A_261 = vector.broadcast %and3A_260 : i32 to vector<16xi32>
        %and3A_262 = arith.andi %add3A_259, %and3A_261 : vector<16xi32>
        %gather3A_263 = tpu.vector_load_idx %arg9[%add3A_35, %and3A_262] : memref<128x128xf32, #tpu.memory_space<vmem>>[vector<16xi32>, vector<16xi32>], vector<16xf32>,
        %gather3A_264 = tpu.vector_load_idx %arg10[%add3A_35, %and3A_262] : memref<128x128xf32, #tpu.memory_space<vmem>>[vector<16xi32>, vector<16xi32>], vector<16xf32>,
        %mul3A_265 = arith.mulf %gather3A_263, %gather3A_264 : vector<16xf32>
        %add3A_266 = arith.addf %add3A_256, %mul3A_265 : vector<16xf32>
        %add3A_267 = arith.constant 1 : i32
        %add3A_268 = vector.broadcast %add3A_267 : i32 to vector<16xi32>
        %add3A_269 = arith.addi %and3A_262, %add3A_268 : vector<16xi32>
        %and3A_270 = arith.constant 63 : i32
        %and3A_271 = vector.broadcast %and3A_270 : i32 to vector<16xi32>
        %and3A_272 = arith.andi %add3A_269, %and3A_271 : vector<16xi32>
        %gather3A_273 = tpu.vector_load_idx %arg9[%add3A_35, %and3A_272] : memref<128x128xf32, #tpu.memory_space<vmem>>[vector<16xi32>, vector<16xi32>], vector<16xf32>,
        %gather3A_274 = tpu.vector_load_idx %arg10[%add3A_35, %and3A_272] : memref<128x128xf32, #tpu.memory_space<vmem>>[vector<16xi32>, vector<16xi32>], vector<16xf32>,
        %mul3A_275 = arith.mulf %gather3A_273, %gather3A_274 : vector<16xf32>
        %add3A_276 = arith.addf %add3A_266, %mul3A_275 : vector<16xf32>
        %add3A_277 = arith.constant 1 : i32
        %add3A_278 = vector.broadcast %add3A_277 : i32 to vector<16xi32>
        %add3A_279 = arith.addi %and3A_272, %add3A_278 : vector<16xi32>
        %and3A_280 = arith.constant 63 : i32
        %and3A_281 = vector.broadcast %and3A_280 : i32 to vector<16xi32>
        %and3A_282 = arith.andi %add3A_279, %and3A_281 : vector<16xi32>
        %gather3A_283 = tpu.vector_load_idx %arg9[%add3A_35, %and3A_282] : memref<128x128xf32, #tpu.memory_space<vmem>>[vector<16xi32>, vector<16xi32>], vector<16xf32>,
        %gather3A_284 = tpu.vector_load_idx %arg10[%add3A_35, %and3A_282] : memref<128x128xf32, #tpu.memory_space<vmem>>[vector<16xi32>, vector<16xi32>], vector<16xf32>,
        %mul3A_285 = arith.mulf %gather3A_283, %gather3A_284 : vector<16xf32>
        %add3A_286 = arith.addf %add3A_276, %mul3A_285 : vector<16xf32>
        %add3A_287 = arith.constant 1 : i32
        %add3A_288 = vector.broadcast %add3A_287 : i32 to vector<16xi32>
        %add3A_289 = arith.addi %and3A_282, %add3A_288 : vector<16xi32>
        %and3A_290 = arith.constant 63 : i32
        %and3A_291 = vector.broadcast %and3A_290 : i32 to vector<16xi32>
        %and3A_292 = arith.andi %add3A_289, %and3A_291 : vector<16xi32>
        %gather3A_293 = tpu.vector_load_idx %arg9[%add3A_35, %and3A_292] : memref<128x128xf32, #tpu.memory_space<vmem>>[vector<16xi32>, vector<16xi32>], vector<16xf32>,
        %gather3A_294 = tpu.vector_load_idx %arg10[%add3A_35, %and3A_292] : memref<128x128xf32, #tpu.memory_space<vmem>>[vector<16xi32>, vector<16xi32>], vector<16xf32>,
        %mul3A_295 = arith.mulf %gather3A_293, %gather3A_294 : vector<16xf32>
        %add3A_296 = arith.addf %add3A_286, %mul3A_295 : vector<16xf32>
        %add3A_297 = arith.constant 1 : i32
        %add3A_298 = vector.broadcast %add3A_297 : i32 to vector<16xi32>
        %add3A_299 = arith.addi %and3A_292, %add3A_298 : vector<16xi32>
        %and3A_300 = arith.constant 63 : i32
        %and3A_301 = vector.broadcast %and3A_300 : i32 to vector<16xi32>
        %and3A_302 = arith.andi %add3A_299, %and3A_301 : vector<16xi32>
        %gather3A_303 = tpu.vector_load_idx %arg9[%add3A_35, %and3A_302] : memref<128x128xf32, #tpu.memory_space<vmem>>[vector<16xi32>, vector<16xi32>], vector<16xf32>,
        %gather3A_304 = tpu.vector_load_idx %arg10[%add3A_35, %and3A_302] : memref<128x128xf32, #tpu.memory_space<vmem>>[vector<16xi32>, vector<16xi32>], vector<16xf32>,
        %mul3A_305 = arith.mulf %gather3A_303, %gather3A_304 : vector<16xf32>
        %add3A_306 = arith.addf %add3A_296, %mul3A_305 : vector<16xf32>
        %add3A_307 = arith.constant 1 : i32
        %add3A_308 = vector.broadcast %add3A_307 : i32 to vector<16xi32>
        %add3A_309 = arith.addi %and3A_302, %add3A_308 : vector<16xi32>
        %and3A_310 = arith.constant 63 : i32
        %and3A_311 = vector.broadcast %and3A_310 : i32 to vector<16xi32>
        %and3A_312 = arith.andi %add3A_309, %and3A_311 : vector<16xi32>
        %gather3A_313 = tpu.vector_load_idx %arg9[%add3A_35, %and3A_312] : memref<128x128xf32, #tpu.memory_space<vmem>>[vector<16xi32>, vector<16xi32>], vector<16xf32>,
        %gather3A_314 = tpu.vector_load_idx %arg10[%add3A_35, %and3A_312] : memref<128x128xf32, #tpu.memory_space<vmem>>[vector<16xi32>, vector<16xi32>], vector<16xf32>,
        %mul3A_315 = arith.mulf %gather3A_313, %gather3A_314 : vector<16xf32>
        %add3A_316 = arith.addf %add3A_306, %mul3A_315 : vector<16xf32>
        %add3A_317 = arith.constant 1 : i32
        %add3A_318 = vector.broadcast %add3A_317 : i32 to vector<16xi32>
        %add3A_319 = arith.addi %and3A_312, %add3A_318 : vector<16xi32>
        %and3A_320 = arith.constant 63 : i32
        %and3A_321 = vector.broadcast %and3A_320 : i32 to vector<16xi32>
        %and3A_322 = arith.andi %add3A_319, %and3A_321 : vector<16xi32>
        %gather3A_323 = tpu.vector_load_idx %arg9[%add3A_35, %and3A_322] : memref<128x128xf32, #tpu.memory_space<vmem>>[vector<16xi32>, vector<16xi32>], vector<16xf32>,
        %gather3A_324 = tpu.vector_load_idx %arg10[%add3A_35, %and3A_322] : memref<128x128xf32, #tpu.memory_space<vmem>>[vector<16xi32>, vector<16xi32>], vector<16xf32>,
        %mul3A_325 = arith.mulf %gather3A_323, %gather3A_324 : vector<16xf32>
        %add3A_326 = arith.addf %add3A_316, %mul3A_325 : vector<16xf32>
        %add3A_327 = arith.constant 1 : i32
        %add3A_328 = vector.broadcast %add3A_327 : i32 to vector<16xi32>
        %add3A_329 = arith.addi %and3A_322, %add3A_328 : vector<16xi32>
        %and3A_330 = arith.constant 63 : i32
        %and3A_331 = vector.broadcast %and3A_330 : i32 to vector<16xi32>
        %and3A_332 = arith.andi %add3A_329, %and3A_331 : vector<16xi32>
        %gather3A_333 = tpu.vector_load_idx %arg9[%add3A_35, %and3A_332] : memref<128x128xf32, #tpu.memory_space<vmem>>[vector<16xi32>, vector<16xi32>], vector<16xf32>,
        %gather3A_334 = tpu.vector_load_idx %arg10[%add3A_35, %and3A_332] : memref<128x128xf32, #tpu.memory_space<vmem>>[vector<16xi32>, vector<16xi32>], vector<16xf32>,
        %mul3A_335 = arith.mulf %gather3A_333, %gather3A_334 : vector<16xf32>
        %add3A_336 = arith.addf %add3A_326, %mul3A_335 : vector<16xf32>
        %add3A_337 = arith.constant 1 : i32
        %add3A_338 = vector.broadcast %add3A_337 : i32 to vector<16xi32>
        %add3A_339 = arith.addi %and3A_332, %add3A_338 : vector<16xi32>
        %and3A_340 = arith.constant 63 : i32
        %and3A_341 = vector.broadcast %and3A_340 : i32 to vector<16xi32>
        %and3A_342 = arith.andi %add3A_339, %and3A_341 : vector<16xi32>
        %gather3A_343 = tpu.vector_load_idx %arg9[%add3A_35, %and3A_342] : memref<128x128xf32, #tpu.memory_space<vmem>>[vector<16xi32>, vector<16xi32>], vector<16xf32>,
        %gather3A_344 = tpu.vector_load_idx %arg10[%add3A_35, %and3A_342] : memref<128x128xf32, #tpu.memory_space<vmem>>[vector<16xi32>, vector<16xi32>], vector<16xf32>,
        %mul3A_345 = arith.mulf %gather3A_343, %gather3A_344 : vector<16xf32>
        %add3A_346 = arith.addf %add3A_336, %mul3A_345 : vector<16xf32>
        %add3A_347 = arith.constant 1 : i32
        %add3A_348 = vector.broadcast %add3A_347 : i32 to vector<16xi32>
        %add3A_349 = arith.addi %and3A_342, %add3A_348 : vector<16xi32>
        %and3A_350 = arith.constant 63 : i32
        %and3A_351 = vector.broadcast %and3A_350 : i32 to vector<16xi32>
        %and3A_352 = arith.andi %add3A_349, %and3A_351 : vector<16xi32>
        %gather3A_353 = tpu.vector_load_idx %arg9[%add3A_35, %and3A_352] : memref<128x128xf32, #tpu.memory_space<vmem>>[vector<16xi32>, vector<16xi32>], vector<16xf32>,
        %gather3A_354 = tpu.vector_load_idx %arg10[%add3A_35, %and3A_352] : memref<128x128xf32, #tpu.memory_space<vmem>>[vector<16xi32>, vector<16xi32>], vector<16xf32>,
        %mul3A_355 = arith.mulf %gather3A_353, %gather3A_354 : vector<16xf32>
        %add3A_356 = arith.addf %add3A_346, %mul3A_355 : vector<16xf32>
        %add3A_357 = arith.constant 1 : i32
        %add3A_358 = vector.broadcast %add3A_357 : i32 to vector<16xi32>
        %add3A_359 = arith.addi %and3A_352, %add3A_358 : vector<16xi32>
        %and3A_360 = arith.constant 63 : i32
        %and3A_361 = vector.broadcast %and3A_360 : i32 to vector<16xi32>
        %and3A_362 = arith.andi %add3A_359, %and3A_361 : vector<16xi32>
        %gather3A_363 = tpu.vector_load_idx %arg9[%add3A_35, %and3A_362] : memref<128x128xf32, #tpu.memory_space<vmem>>[vector<16xi32>, vector<16xi32>], vector<16xf32>,
        %gather3A_364 = tpu.vector_load_idx %arg10[%add3A_35, %and3A_362] : memref<128x128xf32, #tpu.memory_space<vmem>>[vector<16xi32>, vector<16xi32>], vector<16xf32>,
        %mul3A_365 = arith.mulf %gather3A_363, %gather3A_364 : vector<16xf32>
        %add3A_366 = arith.addf %add3A_356, %mul3A_365 : vector<16xf32>
        %add3A_367 = arith.constant 1 : i32
        %add3A_368 = vector.broadcast %add3A_367 : i32 to vector<16xi32>
        %add3A_369 = arith.addi %and3A_362, %add3A_368 : vector<16xi32>
        %and3A_370 = arith.constant 63 : i32
        %and3A_371 = vector.broadcast %and3A_370 : i32 to vector<16xi32>
        %and3A_372 = arith.andi %add3A_369, %and3A_371 : vector<16xi32>
        %gather3A_373 = tpu.vector_load_idx %arg9[%add3A_35, %and3A_372] : memref<128x128xf32, #tpu.memory_space<vmem>>[vector<16xi32>, vector<16xi32>], vector<16xf32>,
        %gather3A_374 = tpu.vector_load_idx %arg10[%add3A_35, %and3A_372] : memref<128x128xf32, #tpu.memory_space<vmem>>[vector<16xi32>, vector<16xi32>], vector<16xf32>,
        %mul3A_375 = arith.mulf %gather3A_373, %gather3A_374 : vector<16xf32>
        %add3A_376 = arith.addf %add3A_366, %mul3A_375 : vector<16xf32>
        %add3A_377 = arith.constant 1 : i32
        %add3A_378 = vector.broadcast %add3A_377 : i32 to vector<16xi32>
        %add3A_379 = arith.addi %and3A_372, %add3A_378 : vector<16xi32>
        %and3A_380 = arith.constant 63 : i32
        %and3A_381 = vector.broadcast %and3A_380 : i32 to vector<16xi32>
        %and3A_382 = arith.andi %add3A_379, %and3A_381 : vector<16xi32>
        %gather3A_383 = tpu.vector_load_idx %arg9[%add3A_35, %and3A_382] : memref<128x128xf32, #tpu.memory_space<vmem>>[vector<16xi32>, vector<16xi32>], vector<16xf32>,
        %gather3A_384 = tpu.vector_load_idx %arg10[%add3A_35, %and3A_382] : memref<128x128xf32, #tpu.memory_space<vmem>>[vector<16xi32>, vector<16xi32>], vector<16xf32>,
        %mul3A_385 = arith.mulf %gather3A_383, %gather3A_384 : vector<16xf32>
        %add3A_386 = arith.addf %add3A_376, %mul3A_385 : vector<16xf32>
        %add3A_387 = arith.constant 1 : i32
        %add3A_388 = vector.broadcast %add3A_387 : i32 to vector<16xi32>
        %add3A_389 = arith.addi %and3A_382, %add3A_388 : vector<16xi32>
        %and3A_390 = arith.constant 63 : i32
        %and3A_391 = vector.broadcast %and3A_390 : i32 to vector<16xi32>
        %and3A_392 = arith.andi %add3A_389, %and3A_391 : vector<16xi32>
        %gather3A_393 = tpu.vector_load_idx %arg9[%add3A_35, %and3A_392] : memref<128x128xf32, #tpu.memory_space<vmem>>[vector<16xi32>, vector<16xi32>], vector<16xf32>,
        %gather3A_394 = tpu.vector_load_idx %arg10[%add3A_35, %and3A_392] : memref<128x128xf32, #tpu.memory_space<vmem>>[vector<16xi32>, vector<16xi32>], vector<16xf32>,
        %mul3A_395 = arith.mulf %gather3A_393, %gather3A_394 : vector<16xf32>
        %add3A_396 = arith.addf %add3A_386, %mul3A_395 : vector<16xf32>
        %add3A_397 = arith.constant 1 : i32
        %add3A_398 = vector.broadcast %add3A_397 : i32 to vector<16xi32>
        %add3A_399 = arith.addi %and3A_392, %add3A_398 : vector<16xi32>
        %and3A_400 = arith.constant 63 : i32
        %and3A_401 = vector.broadcast %and3A_400 : i32 to vector<16xi32>
        %and3A_402 = arith.andi %add3A_399, %and3A_401 : vector<16xi32>
        %gather3A_403 = tpu.vector_load_idx %arg9[%add3A_35, %and3A_402] : memref<128x128xf32, #tpu.memory_space<vmem>>[vector<16xi32>, vector<16xi32>], vector<16xf32>,
        %gather3A_404 = tpu.vector_load_idx %arg10[%add3A_35, %and3A_402] : memref<128x128xf32, #tpu.memory_space<vmem>>[vector<16xi32>, vector<16xi32>], vector<16xf32>,
        %mul3A_405 = arith.mulf %gather3A_403, %gather3A_404 : vector<16xf32>
        %add3A_406 = arith.addf %add3A_396, %mul3A_405 : vector<16xf32>
        %add3A_407 = arith.constant 1 : i32
        %add3A_408 = vector.broadcast %add3A_407 : i32 to vector<16xi32>
        %add3A_409 = arith.addi %and3A_402, %add3A_408 : vector<16xi32>
        %and3A_410 = arith.constant 63 : i32
        %and3A_411 = vector.broadcast %and3A_410 : i32 to vector<16xi32>
        %and3A_412 = arith.andi %add3A_409, %and3A_411 : vector<16xi32>
        %gather3A_413 = tpu.vector_load_idx %arg9[%add3A_35, %and3A_412] : memref<128x128xf32, #tpu.memory_space<vmem>>[vector<16xi32>, vector<16xi32>], vector<16xf32>,
        %gather3A_414 = tpu.vector_load_idx %arg10[%add3A_35, %and3A_412] : memref<128x128xf32, #tpu.memory_space<vmem>>[vector<16xi32>, vector<16xi32>], vector<16xf32>,
        %mul3A_415 = arith.mulf %gather3A_413, %gather3A_414 : vector<16xf32>
        %add3A_416 = arith.addf %add3A_406, %mul3A_415 : vector<16xf32>
        %add3A_417 = arith.constant 1 : i32
        %add3A_418 = vector.broadcast %add3A_417 : i32 to vector<16xi32>
        %add3A_419 = arith.addi %and3A_412, %add3A_418 : vector<16xi32>
        %and3A_420 = arith.constant 63 : i32
        %and3A_421 = vector.broadcast %and3A_420 : i32 to vector<16xi32>
        %and3A_422 = arith.andi %add3A_419, %and3A_421 : vector<16xi32>
        %gather3A_423 = tpu.vector_load_idx %arg9[%add3A_35, %and3A_422] : memref<128x128xf32, #tpu.memory_space<vmem>>[vector<16xi32>, vector<16xi32>], vector<16xf32>,
        %gather3A_424 = tpu.vector_load_idx %arg10[%add3A_35, %and3A_422] : memref<128x128xf32, #tpu.memory_space<vmem>>[vector<16xi32>, vector<16xi32>], vector<16xf32>,
        %mul3A_425 = arith.mulf %gather3A_423, %gather3A_424 : vector<16xf32>
        %add3A_426 = arith.addf %add3A_416, %mul3A_425 : vector<16xf32>
        %add3A_427 = arith.constant 1 : i32
        %add3A_428 = vector.broadcast %add3A_427 : i32 to vector<16xi32>
        %add3A_429 = arith.addi %and3A_422, %add3A_428 : vector<16xi32>
        %and3A_430 = arith.constant 63 : i32
        %and3A_431 = vector.broadcast %and3A_430 : i32 to vector<16xi32>
        %and3A_432 = arith.andi %add3A_429, %and3A_431 : vector<16xi32>
        %gather3A_433 = tpu.vector_load_idx %arg9[%add3A_35, %and3A_432] : memref<128x128xf32, #tpu.memory_space<vmem>>[vector<16xi32>, vector<16xi32>], vector<16xf32>,
        %gather3A_434 = tpu.vector_load_idx %arg10[%add3A_35, %and3A_432] : memref<128x128xf32, #tpu.memory_space<vmem>>[vector<16xi32>, vector<16xi32>], vector<16xf32>,
        %mul3A_435 = arith.mulf %gather3A_433, %gather3A_434 : vector<16xf32>
        %add3A_436 = arith.addf %add3A_426, %mul3A_435 : vector<16xf32>
        %add3A_437 = arith.constant 1 : i32
        %add3A_438 = vector.broadcast %add3A_437 : i32 to vector<16xi32>
        %add3A_439 = arith.addi %and3A_432, %add3A_438 : vector<16xi32>
        %and3A_440 = arith.constant 63 : i32
        %and3A_441 = vector.broadcast %and3A_440 : i32 to vector<16xi32>
        %and3A_442 = arith.andi %add3A_439, %and3A_441 : vector<16xi32>
        %gather3A_443 = tpu.vector_load_idx %arg9[%add3A_35, %and3A_442] : memref<128x128xf32, #tpu.memory_space<vmem>>[vector<16xi32>, vector<16xi32>], vector<16xf32>,
        %gather3A_444 = tpu.vector_load_idx %arg10[%add3A_35, %and3A_442] : memref<128x128xf32, #tpu.memory_space<vmem>>[vector<16xi32>, vector<16xi32>], vector<16xf32>,
        %mul3A_445 = arith.mulf %gather3A_443, %gather3A_444 : vector<16xf32>
        %add3A_446 = arith.addf %add3A_436, %mul3A_445 : vector<16xf32>
        %add3A_447 = arith.constant 1 : i32
        %add3A_448 = vector.broadcast %add3A_447 : i32 to vector<16xi32>
        %add3A_449 = arith.addi %and3A_442, %add3A_448 : vector<16xi32>
        %and3A_450 = arith.constant 63 : i32
        %and3A_451 = vector.broadcast %and3A_450 : i32 to vector<16xi32>
        %and3A_452 = arith.andi %add3A_449, %and3A_451 : vector<16xi32>
        %gather3A_453 = tpu.vector_load_idx %arg9[%add3A_35, %and3A_452] : memref<128x128xf32, #tpu.memory_space<vmem>>[vector<16xi32>, vector<16xi32>], vector<16xf32>,
        %gather3A_454 = tpu.vector_load_idx %arg10[%add3A_35, %and3A_452] : memref<128x128xf32, #tpu.memory_space<vmem>>[vector<16xi32>, vector<16xi32>], vector<16xf32>,
        %mul3A_455 = arith.mulf %gather3A_453, %gather3A_454 : vector<16xf32>
        %add3A_456 = arith.addf %add3A_446, %mul3A_455 : vector<16xf32>
        %add3A_457 = arith.constant 1 : i32
        %add3A_458 = vector.broadcast %add3A_457 : i32 to vector<16xi32>
        %add3A_459 = arith.addi %and3A_452, %add3A_458 : vector<16xi32>
        %and3A_460 = arith.constant 63 : i32
        %and3A_461 = vector.broadcast %and3A_460 : i32 to vector<16xi32>
        %and3A_462 = arith.andi %add3A_459, %and3A_461 : vector<16xi32>
        %gather3A_463 = tpu.vector_load_idx %arg9[%add3A_35, %and3A_462] : memref<128x128xf32, #tpu.memory_space<vmem>>[vector<16xi32>, vector<16xi32>], vector<16xf32>,
        %gather3A_464 = tpu.vector_load_idx %arg10[%add3A_35, %and3A_462] : memref<128x128xf32, #tpu.memory_space<vmem>>[vector<16xi32>, vector<16xi32>], vector<16xf32>,
        %mul3A_465 = arith.mulf %gather3A_463, %gather3A_464 : vector<16xf32>
        %add3A_466 = arith.addf %add3A_456, %mul3A_465 : vector<16xf32>
        %add3A_467 = arith.constant 1 : i32
        %add3A_468 = vector.broadcast %add3A_467 : i32 to vector<16xi32>
        %add3A_469 = arith.addi %and3A_462, %add3A_468 : vector<16xi32>
        %and3A_470 = arith.constant 63 : i32
        %and3A_471 = vector.broadcast %and3A_470 : i32 to vector<16xi32>
        %and3A_472 = arith.andi %add3A_469, %and3A_471 : vector<16xi32>
        %gather3A_473 = tpu.vector_load_idx %arg9[%add3A_35, %and3A_472] : memref<128x128xf32, #tpu.memory_space<vmem>>[vector<16xi32>, vector<16xi32>], vector<16xf32>,
        %gather3A_474 = tpu.vector_load_idx %arg10[%add3A_35, %and3A_472] : memref<128x128xf32, #tpu.memory_space<vmem>>[vector<16xi32>, vector<16xi32>], vector<16xf32>,
        %mul3A_475 = arith.mulf %gather3A_473, %gather3A_474 : vector<16xf32>
        %add3A_476 = arith.addf %add3A_466, %mul3A_475 : vector<16xf32>
        %add3A_477 = arith.constant 1 : i32
        %add3A_478 = vector.broadcast %add3A_477 : i32 to vector<16xi32>
        %add3A_479 = arith.addi %and3A_472, %add3A_478 : vector<16xi32>
        %and3A_480 = arith.constant 63 : i32
        %and3A_481 = vector.broadcast %and3A_480 : i32 to vector<16xi32>
        %and3A_482 = arith.andi %add3A_479, %and3A_481 : vector<16xi32>
        %gather3A_483 = tpu.vector_load_idx %arg9[%add3A_35, %and3A_482] : memref<128x128xf32, #tpu.memory_space<vmem>>[vector<16xi32>, vector<16xi32>], vector<16xf32>,
        %gather3A_484 = tpu.vector_load_idx %arg10[%add3A_35, %and3A_482] : memref<128x128xf32, #tpu.memory_space<vmem>>[vector<16xi32>, vector<16xi32>], vector<16xf32>,
        %mul3A_485 = arith.mulf %gather3A_483, %gather3A_484 : vector<16xf32>
        %add3A_486 = arith.addf %add3A_476, %mul3A_485 : vector<16xf32>
        %add3A_487 = arith.constant 1 : i32
        %add3A_488 = vector.broadcast %add3A_487 : i32 to vector<16xi32>
        %add3A_489 = arith.addi %and3A_482, %add3A_488 : vector<16xi32>
        %and3A_490 = arith.constant 63 : i32
        %and3A_491 = vector.broadcast %and3A_490 : i32 to vector<16xi32>
        %and3A_492 = arith.andi %add3A_489, %and3A_491 : vector<16xi32>
        %gather3A_493 = tpu.vector_load_idx %arg9[%add3A_35, %and3A_492] : memref<128x128xf32, #tpu.memory_space<vmem>>[vector<16xi32>, vector<16xi32>], vector<16xf32>,
        %gather3A_494 = tpu.vector_load_idx %arg10[%add3A_35, %and3A_492] : memref<128x128xf32, #tpu.memory_space<vmem>>[vector<16xi32>, vector<16xi32>], vector<16xf32>,
        %mul3A_495 = arith.mulf %gather3A_493, %gather3A_494 : vector<16xf32>
        %add3A_496 = arith.addf %add3A_486, %mul3A_495 : vector<16xf32>
        %add3A_497 = arith.constant 1 : i32
        %add3A_498 = vector.broadcast %add3A_497 : i32 to vector<16xi32>
        %add3A_499 = arith.addi %and3A_492, %add3A_498 : vector<16xi32>
        %and3A_500 = arith.constant 63 : i32
        %and3A_501 = vector.broadcast %and3A_500 : i32 to vector<16xi32>
        %and3A_502 = arith.andi %add3A_499, %and3A_501 : vector<16xi32>
        %gather3A_503 = tpu.vector_load_idx %arg9[%add3A_35, %and3A_502] : memref<128x128xf32, #tpu.memory_space<vmem>>[vector<16xi32>, vector<16xi32>], vector<16xf32>,
        %gather3A_504 = tpu.vector_load_idx %arg10[%add3A_35, %and3A_502] : memref<128x128xf32, #tpu.memory_space<vmem>>[vector<16xi32>, vector<16xi32>], vector<16xf32>,
        %mul3A_505 = arith.mulf %gather3A_503, %gather3A_504 : vector<16xf32>
        %add3A_506 = arith.addf %add3A_496, %mul3A_505 : vector<16xf32>
        %add3A_507 = arith.constant 1 : i32
        %add3A_508 = vector.broadcast %add3A_507 : i32 to vector<16xi32>
        %add3A_509 = arith.addi %and3A_502, %add3A_508 : vector<16xi32>
        %and3A_510 = arith.constant 63 : i32
        %and3A_511 = vector.broadcast %and3A_510 : i32 to vector<16xi32>
        %and3A_512 = arith.andi %add3A_509, %and3A_511 : vector<16xi32>
        %gather3A_513 = tpu.vector_load_idx %arg9[%add3A_35, %and3A_512] : memref<128x128xf32, #tpu.memory_space<vmem>>[vector<16xi32>, vector<16xi32>], vector<16xf32>,
        %gather3A_514 = tpu.vector_load_idx %arg10[%add3A_35, %and3A_512] : memref<128x128xf32, #tpu.memory_space<vmem>>[vector<16xi32>, vector<16xi32>], vector<16xf32>,
        %mul3A_515 = arith.mulf %gather3A_513, %gather3A_514 : vector<16xf32>
        %add3A_516 = arith.addf %add3A_506, %mul3A_515 : vector<16xf32>
        %add3A_517 = arith.constant 1 : i32
        %add3A_518 = vector.broadcast %add3A_517 : i32 to vector<16xi32>
        %add3A_519 = arith.addi %and3A_512, %add3A_518 : vector<16xi32>
        %and3A_520 = arith.constant 63 : i32
        %and3A_521 = vector.broadcast %and3A_520 : i32 to vector<16xi32>
        %and3A_522 = arith.andi %add3A_519, %and3A_521 : vector<16xi32>
        %gather3A_523 = tpu.vector_load_idx %arg9[%add3A_35, %and3A_522] : memref<128x128xf32, #tpu.memory_space<vmem>>[vector<16xi32>, vector<16xi32>], vector<16xf32>,
        %gather3A_524 = tpu.vector_load_idx %arg10[%add3A_35, %and3A_522] : memref<128x128xf32, #tpu.memory_space<vmem>>[vector<16xi32>, vector<16xi32>], vector<16xf32>,
        %mul3A_525 = arith.mulf %gather3A_523, %gather3A_524 : vector<16xf32>
        %add3A_526 = arith.addf %add3A_516, %mul3A_525 : vector<16xf32>
        %add3A_527 = arith.constant 1 : i32
        %add3A_528 = vector.broadcast %add3A_527 : i32 to vector<16xi32>
        %add3A_529 = arith.addi %and3A_522, %add3A_528 : vector<16xi32>
        %and3A_530 = arith.constant 63 : i32
        %and3A_531 = vector.broadcast %and3A_530 : i32 to vector<16xi32>
        %and3A_532 = arith.andi %add3A_529, %and3A_531 : vector<16xi32>
        %gather3A_533 = tpu.vector_load_idx %arg9[%add3A_35, %and3A_532] : memref<128x128xf32, #tpu.memory_space<vmem>>[vector<16xi32>, vector<16xi32>], vector<16xf32>,
        %gather3A_534 = tpu.vector_load_idx %arg10[%add3A_35, %and3A_532] : memref<128x128xf32, #tpu.memory_space<vmem>>[vector<16xi32>, vector<16xi32>], vector<16xf32>,
        %mul3A_535 = arith.mulf %gather3A_533, %gather3A_534 : vector<16xf32>
        %add3A_536 = arith.addf %add3A_526, %mul3A_535 : vector<16xf32>
        %add3A_537 = arith.constant 1 : i32
        %add3A_538 = vector.broadcast %add3A_537 : i32 to vector<16xi32>
        %add3A_539 = arith.addi %and3A_532, %add3A_538 : vector<16xi32>
        %and3A_540 = arith.constant 63 : i32
        %and3A_541 = vector.broadcast %and3A_540 : i32 to vector<16xi32>
        %and3A_542 = arith.andi %add3A_539, %and3A_541 : vector<16xi32>
        %gather3A_543 = tpu.vector_load_idx %arg9[%add3A_35, %and3A_542] : memref<128x128xf32, #tpu.memory_space<vmem>>[vector<16xi32>, vector<16xi32>], vector<16xf32>,
        %gather3A_544 = tpu.vector_load_idx %arg10[%add3A_35, %and3A_542] : memref<128x128xf32, #tpu.memory_space<vmem>>[vector<16xi32>, vector<16xi32>], vector<16xf32>,
        %mul3A_545 = arith.mulf %gather3A_543, %gather3A_544 : vector<16xf32>
        %add3A_546 = arith.addf %add3A_536, %mul3A_545 : vector<16xf32>
        %add3A_547 = arith.constant 1 : i32
        %add3A_548 = vector.broadcast %add3A_547 : i32 to vector<16xi32>
        %add3A_549 = arith.addi %and3A_542, %add3A_548 : vector<16xi32>
        %and3A_550 = arith.constant 63 : i32
        %and3A_551 = vector.broadcast %and3A_550 : i32 to vector<16xi32>
        %and3A_552 = arith.andi %add3A_549, %and3A_551 : vector<16xi32>
        %gather3A_553 = tpu.vector_load_idx %arg9[%add3A_35, %and3A_552] : memref<128x128xf32, #tpu.memory_space<vmem>>[vector<16xi32>, vector<16xi32>], vector<16xf32>,
        %gather3A_554 = tpu.vector_load_idx %arg10[%add3A_35, %and3A_552] : memref<128x128xf32, #tpu.memory_space<vmem>>[vector<16xi32>, vector<16xi32>], vector<16xf32>,
        %mul3A_555 = arith.mulf %gather3A_553, %gather3A_554 : vector<16xf32>
        %add3A_556 = arith.addf %add3A_546, %mul3A_555 : vector<16xf32>
        %add3A_557 = arith.constant 1 : i32
        %add3A_558 = vector.broadcast %add3A_557 : i32 to vector<16xi32>
        %add3A_559 = arith.addi %and3A_552, %add3A_558 : vector<16xi32>
        %and3A_560 = arith.constant 63 : i32
        %and3A_561 = vector.broadcast %and3A_560 : i32 to vector<16xi32>
        %and3A_562 = arith.andi %add3A_559, %and3A_561 : vector<16xi32>
        %gather3A_563 = tpu.vector_load_idx %arg9[%add3A_35, %and3A_562] : memref<128x128xf32, #tpu.memory_space<vmem>>[vector<16xi32>, vector<16xi32>], vector<16xf32>,
        %gather3A_564 = tpu.vector_load_idx %arg10[%add3A_35, %and3A_562] : memref<128x128xf32, #tpu.memory_space<vmem>>[vector<16xi32>, vector<16xi32>], vector<16xf32>,
        %mul3A_565 = arith.mulf %gather3A_563, %gather3A_564 : vector<16xf32>
        %add3A_566 = arith.addf %add3A_556, %mul3A_565 : vector<16xf32>
        %add3A_567 = arith.constant 1 : i32
        %add3A_568 = vector.broadcast %add3A_567 : i32 to vector<16xi32>
        %add3A_569 = arith.addi %and3A_562, %add3A_568 : vector<16xi32>
        %and3A_570 = arith.constant 63 : i32
        %and3A_571 = vector.broadcast %and3A_570 : i32 to vector<16xi32>
        %and3A_572 = arith.andi %add3A_569, %and3A_571 : vector<16xi32>
        %gather3A_573 = tpu.vector_load_idx %arg9[%add3A_35, %and3A_572] : memref<128x128xf32, #tpu.memory_space<vmem>>[vector<16xi32>, vector<16xi32>], vector<16xf32>,
        %gather3A_574 = tpu.vector_load_idx %arg10[%add3A_35, %and3A_572] : memref<128x128xf32, #tpu.memory_space<vmem>>[vector<16xi32>, vector<16xi32>], vector<16xf32>,
        %mul3A_575 = arith.mulf %gather3A_573, %gather3A_574 : vector<16xf32>
        %add3A_576 = arith.addf %add3A_566, %mul3A_575 : vector<16xf32>
        %add3A_577 = arith.constant 1 : i32
        %add3A_578 = vector.broadcast %add3A_577 : i32 to vector<16xi32>
        %add3A_579 = arith.addi %and3A_572, %add3A_578 : vector<16xi32>
        %and3A_580 = arith.constant 63 : i32
        %and3A_581 = vector.broadcast %and3A_580 : i32 to vector<16xi32>
        %and3A_582 = arith.andi %add3A_579, %and3A_581 : vector<16xi32>
        %gather3A_583 = tpu.vector_load_idx %arg9[%add3A_35, %and3A_582] : memref<128x128xf32, #tpu.memory_space<vmem>>[vector<16xi32>, vector<16xi32>], vector<16xf32>,
        %gather3A_584 = tpu.vector_load_idx %arg10[%add3A_35, %and3A_582] : memref<128x128xf32, #tpu.memory_space<vmem>>[vector<16xi32>, vector<16xi32>], vector<16xf32>,
        %mul3A_585 = arith.mulf %gather3A_583, %gather3A_584 : vector<16xf32>
        %add3A_586 = arith.addf %add3A_576, %mul3A_585 : vector<16xf32>
        %add3A_587 = arith.constant 1 : i32
        %add3A_588 = vector.broadcast %add3A_587 : i32 to vector<16xi32>
        %add3A_589 = arith.addi %and3A_582, %add3A_588 : vector<16xi32>
        %and3A_590 = arith.constant 63 : i32
        %and3A_591 = vector.broadcast %and3A_590 : i32 to vector<16xi32>
        %and3A_592 = arith.andi %add3A_589, %and3A_591 : vector<16xi32>
        %gather3A_593 = tpu.vector_load_idx %arg9[%add3A_35, %and3A_592] : memref<128x128xf32, #tpu.memory_space<vmem>>[vector<16xi32>, vector<16xi32>], vector<16xf32>,
        %gather3A_594 = tpu.vector_load_idx %arg10[%add3A_35, %and3A_592] : memref<128x128xf32, #tpu.memory_space<vmem>>[vector<16xi32>, vector<16xi32>], vector<16xf32>,
        %mul3A_595 = arith.mulf %gather3A_593, %gather3A_594 : vector<16xf32>
        %add3A_596 = arith.addf %add3A_586, %mul3A_595 : vector<16xf32>
        %add3A_597 = arith.constant 1 : i32
        %add3A_598 = vector.broadcast %add3A_597 : i32 to vector<16xi32>
        %add3A_599 = arith.addi %and3A_592, %add3A_598 : vector<16xi32>
        %and3A_600 = arith.constant 63 : i32
        %and3A_601 = vector.broadcast %and3A_600 : i32 to vector<16xi32>
        %and3A_602 = arith.andi %add3A_599, %and3A_601 : vector<16xi32>
        %gather3A_603 = tpu.vector_load_idx %arg9[%add3A_35, %and3A_602] : memref<128x128xf32, #tpu.memory_space<vmem>>[vector<16xi32>, vector<16xi32>], vector<16xf32>,
        %gather3A_604 = tpu.vector_load_idx %arg10[%add3A_35, %and3A_602] : memref<128x128xf32, #tpu.memory_space<vmem>>[vector<16xi32>, vector<16xi32>], vector<16xf32>,
        %mul3A_605 = arith.mulf %gather3A_603, %gather3A_604 : vector<16xf32>
        %add3A_606 = arith.addf %add3A_596, %mul3A_605 : vector<16xf32>
        %add3A_607 = arith.constant 1 : i32
        %add3A_608 = vector.broadcast %add3A_607 : i32 to vector<16xi32>
        %add3A_609 = arith.addi %and3A_602, %add3A_608 : vector<16xi32>
        %and3A_610 = arith.constant 63 : i32
        %and3A_611 = vector.broadcast %and3A_610 : i32 to vector<16xi32>
        %and3A_612 = arith.andi %add3A_609, %and3A_611 : vector<16xi32>
        %gather3A_613 = tpu.vector_load_idx %arg9[%add3A_35, %and3A_612] : memref<128x128xf32, #tpu.memory_space<vmem>>[vector<16xi32>, vector<16xi32>], vector<16xf32>,
        %gather3A_614 = tpu.vector_load_idx %arg10[%add3A_35, %and3A_612] : memref<128x128xf32, #tpu.memory_space<vmem>>[vector<16xi32>, vector<16xi32>], vector<16xf32>,
        %mul3A_615 = arith.mulf %gather3A_613, %gather3A_614 : vector<16xf32>
        %add3A_616 = arith.addf %add3A_606, %mul3A_615 : vector<16xf32>
        %add3A_617 = arith.constant 1 : i32
        %add3A_618 = vector.broadcast %add3A_617 : i32 to vector<16xi32>
        %add3A_619 = arith.addi %and3A_612, %add3A_618 : vector<16xi32>
        %and3A_620 = arith.constant 63 : i32
        %and3A_621 = vector.broadcast %and3A_620 : i32 to vector<16xi32>
        %and3A_622 = arith.andi %add3A_619, %and3A_621 : vector<16xi32>
        %gather3A_623 = tpu.vector_load_idx %arg9[%add3A_35, %and3A_622] : memref<128x128xf32, #tpu.memory_space<vmem>>[vector<16xi32>, vector<16xi32>], vector<16xf32>,
        %gather3A_624 = tpu.vector_load_idx %arg10[%add3A_35, %and3A_622] : memref<128x128xf32, #tpu.memory_space<vmem>>[vector<16xi32>, vector<16xi32>], vector<16xf32>,
        %mul3A_625 = arith.mulf %gather3A_623, %gather3A_624 : vector<16xf32>
        %add3A_626 = arith.addf %add3A_616, %mul3A_625 : vector<16xf32>
        %add3A_627 = arith.constant 1 : i32
        %add3A_628 = vector.broadcast %add3A_627 : i32 to vector<16xi32>
        %add3A_629 = arith.addi %and3A_622, %add3A_628 : vector<16xi32>
        %and3A_630 = arith.constant 63 : i32
        %and3A_631 = vector.broadcast %and3A_630 : i32 to vector<16xi32>
        %and3A_632 = arith.andi %add3A_629, %and3A_631 : vector<16xi32>
        %gather3A_633 = tpu.vector_load_idx %arg9[%add3A_35, %and3A_632] : memref<128x128xf32, #tpu.memory_space<vmem>>[vector<16xi32>, vector<16xi32>], vector<16xf32>,
        %gather3A_634 = tpu.vector_load_idx %arg10[%add3A_35, %and3A_632] : memref<128x128xf32, #tpu.memory_space<vmem>>[vector<16xi32>, vector<16xi32>], vector<16xf32>,
        %mul3A_635 = arith.mulf %gather3A_633, %gather3A_634 : vector<16xf32>
        %add3A_636 = arith.addf %add3A_626, %mul3A_635 : vector<16xf32>
        %add3A_637 = arith.constant 1 : i32
        %add3A_638 = vector.broadcast %add3A_637 : i32 to vector<16xi32>
        %add3A_639 = arith.addi %and3A_632, %add3A_638 : vector<16xi32>
        %and3A_640 = arith.constant 63 : i32
        %and3A_641 = vector.broadcast %and3A_640 : i32 to vector<16xi32>
        %and3A_642 = arith.andi %add3A_639, %and3A_641 : vector<16xi32>
        %gather3A_643 = tpu.vector_load_idx %arg9[%add3A_35, %and3A_642] : memref<128x128xf32, #tpu.memory_space<vmem>>[vector<16xi32>, vector<16xi32>], vector<16xf32>,
        %gather3A_644 = tpu.vector_load_idx %arg10[%add3A_35, %and3A_642] : memref<128x128xf32, #tpu.memory_space<vmem>>[vector<16xi32>, vector<16xi32>], vector<16xf32>,
        %mul3A_645 = arith.mulf %gather3A_643, %gather3A_644 : vector<16xf32>
        %add3A_646 = arith.addf %add3A_636, %mul3A_645 : vector<16xf32>
        %add3A_647 = arith.constant 1 : i32
        %add3A_648 = vector.broadcast %add3A_647 : i32 to vector<16xi32>
        %add3A_649 = arith.addi %and3A_642, %add3A_648 : vector<16xi32>
        %and3A_650 = arith.constant 63 : i32
        %and3A_651 = vector.broadcast %and3A_650 : i32 to vector<16xi32>
        %and3A_652 = arith.andi %add3A_649, %and3A_651 : vector<16xi32>
        %gather3A_653 = tpu.vector_load_idx %arg9[%add3A_35, %and3A_652] : memref<128x128xf32, #tpu.memory_space<vmem>>[vector<16xi32>, vector<16xi32>], vector<16xf32>,
        %gather3A_654 = tpu.vector_load_idx %arg10[%add3A_35, %and3A_652] : memref<128x128xf32, #tpu.memory_space<vmem>>[vector<16xi32>, vector<16xi32>], vector<16xf32>,
        %mul3A_655 = arith.mulf %gather3A_653, %gather3A_654 : vector<16xf32>
        %add3A_656 = arith.addf %add3A_646, %mul3A_655 : vector<16xf32>
        %add3A_657 = arith.constant 1 : i32
        %add3A_658 = vector.broadcast %add3A_657 : i32 to vector<16xi32>
        %add3A_659 = arith.addi %and3A_652, %add3A_658 : vector<16xi32>
        %and3A_660 = arith.constant 63 : i32
        %and3A_661 = vector.broadcast %and3A_660 : i32 to vector<16xi32>
        %and3A_662 = arith.andi %add3A_659, %and3A_661 : vector<16xi32>
        %gather3A_663 = tpu.vector_load_idx %arg9[%add3A_35, %and3A_662] : memref<128x128xf32, #tpu.memory_space<vmem>>[vector<16xi32>, vector<16xi32>], vector<16xf32>,
        %gather3A_664 = tpu.vector_load_idx %arg10[%add3A_35, %and3A_662] : memref<128x128xf32, #tpu.memory_space<vmem>>[vector<16xi32>, vector<16xi32>], vector<16xf32>,
        %mul3A_665 = arith.mulf %gather3A_663, %gather3A_664 : vector<16xf32>
        %add3A_666 = arith.addf %add3A_656, %mul3A_665 : vector<16xf32>
        %neg3A = arith.constant 0.000000e+00 : f32
        %neg3A_667 = vector.broadcast %neg3A : f32 to vector<16xf32>
        %neg3A_668 = arith.subf %neg3A_667, %add3A_666 : vector<16xf32>
        %exp3A = math.exp %neg3A_668 : vector<16xf32>
        %add3A_669 = arith.constant 1.000000e+00 : f32
        %add3A_670 = vector.broadcast %add3A_669 : f32 to vector<16xf32>
        %add3A_671 = arith.addf %add3A_670, %exp3A : vector<16xf32>
        %div3A = arith.constant 1.000000e+00 : f32
        %div3A_672 = vector.broadcast %div3A : f32 to vector<16xf32>
        %div3A_673 = arith.divf %div3A_672, %add3A_671 : vector<16xf32>
        %mul3A_674 = arith.constant 128 : i32
        %mul3A_675 = arith.muli %scan3A_8, %mul3A_674 : i32
        %mul3A_676 = arith.constant 16 : i32
        %mul3A_677 = arith.muli %scan3A_31, %mul3A_676 : i32
        %add3A_678 = arith.addi %mul3A_675, %mul3A_677 : i32
        %swap3A = arith.index_cast %add3A_678 : i32 to index
        %swap3A_679 = tpu.vector_load %arg11[%swap3A] {strides = array<i32>} : memref<512xf32, #tpu.memory_space<vmem>>, vector<16xf32>,
        tpu.vector_store %arg11[%swap3A], %div3A_673 {strides = array<i32>} : memref<512xf32, #tpu.memory_space<vmem>>, vector<16xf32>,
      }
      %scan3A_30 = arith.constant 8 : i32
    }
    %scan3A_7 = arith.constant 4 : i32
    "tpu.region"() ({
      %run_scoped3A = tpu.sem_alloc : memref<!tpu.dma_semaphore, #tpu.memory_space<semaphore_mem>>
      %dma_start3A = tpu.memref_slice %arg6[%mul3A_2] : memref<16384xf32, #tpu.memory_space<hbm>> -> memref<512xf32, #tpu.memory_space<hbm>>
      %dma_start3A_8 = tpu.memref_slice %arg6[%mul3A_2] : memref<16384xf32, #tpu.memory_space<hbm>> -> memref<512xf32, #tpu.memory_space<hbm>>
      tpu.enqueue_dma source(%arg11 : memref<512xf32, #tpu.memory_space<vmem>>) target(%dma_start3A_8 : memref<512xf32, #tpu.memory_space<hbm>>) target_semaphore(%run_scoped3A : memref<!tpu.dma_semaphore, #tpu.memory_space<semaphore_mem>>)
      %dma_wait3A = tpu.memref_slice %arg6[%mul3A_2] : memref<16384xf32, #tpu.memory_space<hbm>> -> memref<512xf32, #tpu.memory_space<hbm>>
      %dma_wait3A_9 = tpu.memref_slice %arg6[%mul3A_2] : memref<16384xf32, #tpu.memory_space<hbm>> -> memref<512xf32, #tpu.memory_space<hbm>>
      tpu.wait_dma2 semaphore(%run_scoped3A : memref<!tpu.dma_semaphore, #tpu.memory_space<semaphore_mem>>) src(%arg11 : memref<512xf32, #tpu.memory_space<vmem>>) dst(%dma_wait3A_9 : memref<512xf32, #tpu.memory_space<hbm>>)
      tpu.yield
    }) : () -> ()
    return
  }
}

module attributes {stable_mosaic.version = 14 : i64} {
  func.func @_pack_body(%arg0: i32, %arg1: memref<64x2048xf32, #tpu.memory_space<vmem>>, %arg2: memref<2048x128xf32, #tpu.memory_space<vmem>>) attributes {dimension_semantics = [#tpu.dimension_semantics<arbitrary>], iteration_bounds = array<i64: 49>, scalar_prefetch = 0 : i64, scratch_operands = 0 : i64, tpu.core_type = #tpu.core_type<tc>, window_params = [{transform_indices = @transform_0, window_bounds = array<i64: 64, 2048>}, {transform_indices = @transform_1, window_bounds = array<i64: 2048, 128>}]} {
    %iota3A = tpu.iota {dimensions = array<i32: 0>} : vector<64x64xi32>
    %iota3A_0 = tpu.iota {dimensions = array<i32: 1>} : vector<64x64xi32>
    %eq3A = arith.cmpi eq, %iota3A, %iota3A_0 : vector<64x64xi32>
    %convert_element_type3A = arith.extui %eq3A : vector<64x64xi1> to vector<64x64xi32>
    %convert_element_type3A_1 = arith.sitofp %convert_element_type3A : vector<64x64xi32> to vector<64x64xf32>
    %get3A = arith.constant 0 : index
    %get3A_2 = arith.constant 0 : index
    %get3A_3 = vector.load %arg1[%get3A, %get3A_2] : memref<64x2048xf32, #tpu.memory_space<vmem>>, vector<64x2048xf32>
    %dot_general3A = arith.constant dense<0.000000e+00> : vector<2048x64xf32>
    %dot_general3A_4 = tpu.matmul %get3A_3, %convert_element_type3A_1, %dot_general3A {dimension_numbers = #tpu.dot_dimension_numbers<[0], [0], [1], [1], [0, 1, 1, 1], [], []>, transpose_lhs_hint = true} : vector<64x2048xf32>, vector<64x64xf32>, vector<2048x64xf32> -> vector<2048x64xf32>
    %swap3A = arith.constant 0 : index
    %swap3A_5 = arith.constant 0 : index
    %swap3A_6 = vector.load %arg2[%swap3A, %swap3A_5] : memref<2048x128xf32, #tpu.memory_space<vmem>>, vector<2048x64xf32>
    tpu.vector_store %arg2[%swap3A, %swap3A_5], %dot_general3A_4 {strides = array<i32>} : memref<2048x128xf32, #tpu.memory_space<vmem>>, vector<2048x64xf32>,
    %broadcast_in_dim3A = arith.constant 0.000000e+00 : f32
    %broadcast_in_dim3A_7 = vector.broadcast %broadcast_in_dim3A : f32 to vector<2048x64xf32>
    %swap3A_8 = arith.constant 0 : index
    %swap3A_9 = arith.constant 64 : index
    %swap3A_10 = vector.load %arg2[%swap3A_8, %swap3A_9] : memref<2048x128xf32, #tpu.memory_space<vmem>>, vector<2048x64xf32>
    tpu.vector_store %arg2[%swap3A_8, %swap3A_9], %broadcast_in_dim3A_7 {strides = array<i32>} : memref<2048x128xf32, #tpu.memory_space<vmem>>, vector<2048x64xf32>,
    return
  }
  func.func @transform_0(%arg0: i32) -> (i32, i32) {
    %c0_i32 = arith.constant 0 : i32
    %c0_i32_0 = arith.constant 0 : i32
    return %c0_i32, %arg0 : i32, i32
  }
  func.func @transform_1(%arg0: i32) -> (i32, i32) {
    %c0_i32 = arith.constant 0 : i32
    %c0_i32_0 = arith.constant 0 : i32
    return %arg0, %c0_i32 : i32, i32
  }
}

</mosaic_0001>

<sc_bundles>
// kernel: _run.5.cloned.1.call-start
scs
__scs_entry_jumppad:
0x0: {  	(pc) =	sbr.rel $0x88, $3  }
0x1: {  	(tag) =	ssettag $0x0;
	lr =	simm.s32 $0x1  }
0x2: {  	[smem:$0x3F9D] =	sst lr;
	_ =	strace $0xD0000000  }
0x3: {  	_ = 	snop  }
0x4: {  	_ = 	snop  }
0x5: {  	_ = 	snop  }
0x6: {  	_ = 	snop  }
0x7: {  	_ = 	snop  }
__scs_overlays_trampoline_lowered:
0x8: {  	[smem:$0x3FAC] =	sst s0  }
0x9: {  	[smem:$0x3FAD] =	sst s1  }
0xa: {  	[smem:$0x3FAE] =	sst s2  }
0xb: {  	[smem:$0x3FAF] =	sst s3  }
0xc: {  	[smem:$0x3FB0] =	sst s4  }
0xd: {  	[smem:$0x3FB1] =	sst s5  }
0xe: {  	[smem:$0x3FB2] =	sst s6  }
0xf: {  	[smem:$0x3FB3] =	sst s7  }
0x10: {  	[smem:$0x3FB4] =	sst s8  }
0x11: {  	[smem:$0x3FB5] =	sst s9;
	s0 =	simm.s32 @!p0 $0x0  }
0x12: {  	s1 =	sld [smem:$0x3F9B];
	s0 =	simm.s32 @p0 $0x1  }
0x13: {  	[smem:$0x3FB6] =	sst s0;
	s0 =	simm.s32 @!p1 $0x0  }
0x14: {  	s2 =	sld [smem:$0x3F9A];
	s0 =	simm.s32 @p1 $0x1  }
0x15: {  	[smem:$0x3FB7] =	sst s0;
	s0 =	simm.s32 @!p2 $0x0  }
0x16: {  	s3 =	sld [smem:$0x3FDB];
	s0 =	simm.s32 @p2 $0x1  }
0x17: {  	s4 =	simm.s32 $0x1BF5;
	[smem:$0x3FB9] =	sst s0  }
0x18: {  	s0 =	sld [smem:$0x3F9C];
	_ =	swait.ge [sflag:s4], $0x0  }
0x19: {  	s7 =	sld [smem:$0x3F9D]  }
0x1a: {  	s8 =	sadd.s32 $0xFFFFE003, lr  }
0x1b: {  	s9 =	sadd.s32 $0xFFFFFEF7, lr;
	s5 =	simm.s32 $0xFFFFFFFF;
	p2 =	slt.u32 s8, $0xFFFFF086  }
0x1c: {  	p1 =	slt.u32 s9, $0xF7A;
	s5 =	simm.s32 @!p2 $0x0  }
0x1d: {  	s5 =	simm.s32 @p1 $0x1;
	p0 =	seq.s32 s7, s2  }
0x1e: {  	s7 =	smul.u32 @!p0 $0xF7A, s2;
	p2 =	seq.s32 @!p0 s5, $0x0  }
0x1f: {  	s9 =	smul.u32 $0xF7A, s1;
	s8 =	simm.s32 @!p0 $0x1BF5;
	p2 =	por !p2, p0  }
0x20: {  	[sflag:s8] =	ssyncset.s32 @!p0 $0xFFFFF086;
	s6 =	sadd.s32 @!p0 s3, s7;
	s7 =	simm.s32 @!p0 $0x108  }
0x21: {  	s3 =	sadd.s32 s3, s9;
	s6 =	sadd.s32 @!p0 $0x88, s6;
	s7 =	simm.s32 @p2 $0x1082  }
0x22: {  	[simem:s7], [sflag:s8] =	dma.local @!p0 [hbm:s6], $0xF7A  }
0x23: {  	s9 =	sor.u32 $0xD0000000, s2;
	s6 =	simm.s32 $0x108;
	_ =	swait.ge @!p0 [sflag:s8], $0x0  }
0x24: {  	s3 =	sadd.s32 $0x88, s3;
	s6 =	simm.s32 @!p1 $0x1082;
	[sflag:s4] =	ssyncset.s32 $0xFFFFF086  }
0x25: {  	[simem:s6], [sflag:s4] =	dma.local [hbm:s3], $0xF7A  }
0x26: {  	[smem:$0x3F9D] =	sst s1;
	(tag) =	ssettag s2;
	_ =	strace s9  }
0x27: {  	s1 =	sld [smem:$0x3FAD]  }
0x28: {  	s2 =	sld [smem:$0x3FAE]  }
0x29: {  	s4 =	sld [smem:$0x3FB0]  }
0x2a: {  	p0 =	seq.s32 s5, $0x0;
	s5 =	sld [smem:$0x3FB1]  }
0x2b: {  	s6 =	sld [smem:$0x3FB2]  }
0x2c: {  	s7 =	sld [smem:$0x3FB3]  }
0x2d: {  	s3 =	simm.s32 $0x108;
	s8 =	sld [smem:$0x3FB4]  }
0x2e: {  	s3 =	simm.s32 @!p0 $0x1082;
	s9 =	sld [smem:$0x3FB5]  }
0x2f: {  	lr =	sadd.s32 s0, s3;
	s0 =	sld [smem:$0x3FAC]  }
0x30: {  	s3 =	sld [smem:$0x3FAF]  }
0x31: {  	[smem:$0x3FB8] =	sst s10  }
0x32: {  	s10 =	sld [smem:$0x3FB6];
	_ =	sdelay $0x3  }
0x33: {  	p0 =	seq.s32 s10, $0x1;
	s10 =	sld [smem:$0x3FB8];
	_ =	sdelay $0x3  }
0x34: {  	[smem:$0x3FB8] =	sst s10  }
0x35: {  	s10 =	sld [smem:$0x3FB7];
	_ =	sdelay $0x3  }
0x36: {  	p1 =	seq.s32 s10, $0x1;
	s10 =	sld [smem:$0x3FB8];
	_ =	sdelay $0x3  }
0x37: {  	[smem:$0x3FB8] =	sst s10  }
0x38: {  	s10 =	sld [smem:$0x3FB9]  }
0x39: {  	_ = 	snop;
	(pc) =	sbr.ind lr, $3  }
0x3a: {  	_ = 	snop  }
0x3b: {  	_ = 	snop  }
0x3c: {  	p2 =	seq.s32 s10, $0x1;
	s10 =	sld [smem:$0x3FB8]  }
0x3d: {  	_ =	shalt  }
0x3e: {  	_ =	shalt  }
0x3f: {  	_ =	shalt  }
0x40: {  	_ =	shalt  }
0x41: {  	_ =	shalt  }
0x42: {  	_ =	shalt  }
0x43: {  	_ =	shalt  }
0x44: {  	_ =	shalt  }
0x45: {  	_ =	shalt  }
0x46: {  	_ =	shalt  }
0x47: {  	_ =	shalt  }
0x48: {  	_ =	shalt  }
0x49: {  	_ =	shalt  }
0x4a: {  	_ =	shalt  }
0x4b: {  	_ =	shalt  }
0x4c: {  	_ =	shalt  }
0x4d: {  	_ =	shalt  }
0x4e: {  	_ =	shalt  }
0x4f: {  	_ =	shalt  }
0x50: {  	_ =	shalt  }
0x51: {  	_ =	shalt  }
0x52: {  	_ =	shalt  }
0x53: {  	_ =	shalt  }
0x54: {  	_ =	shalt  }
0x55: {  	_ =	shalt  }
0x56: {  	_ =	shalt  }
0x57: {  	_ =	shalt  }
0x58: {  	_ =	shalt  }
0x59: {  	_ =	shalt  }
0x5a: {  	_ =	shalt  }
0x5b: {  	_ =	shalt  }
0x5c: {  	_ =	shalt  }
0x5d: {  	_ =	shalt  }
0x5e: {  	_ =	shalt  }
0x5f: {  	_ =	shalt  }
0x60: {  	_ =	shalt  }
0x61: {  	_ =	shalt  }
0x62: {  	_ =	shalt  }
0x63: {  	_ =	shalt  }
0x64: {  	_ =	shalt  }
0x65: {  	_ =	shalt  }
0x66: {  	_ =	shalt  }
0x67: {  	_ =	shalt  }
0x68: {  	_ =	shalt  }
0x69: {  	_ =	shalt  }
0x6a: {  	_ =	shalt  }
0x6b: {  	_ =	shalt  }
0x6c: {  	_ =	shalt  }
0x6d: {  	_ =	shalt  }
0x6e: {  	_ =	shalt  }
0x6f: {  	_ =	shalt  }
0x70: {  	_ =	shalt  }
0x71: {  	_ =	shalt  }
0x72: {  	_ =	shalt  }
0x73: {  	_ =	shalt  }
0x74: {  	_ =	shalt  }
0x75: {  	_ =	shalt  }
0x76: {  	_ =	shalt  }
0x77: {  	_ =	shalt  }
0x78: {  	_ =	shalt  }
0x79: {  	_ =	shalt  }
0x7a: {  	_ =	shalt  }
0x7b: {  	_ =	shalt  }
0x7c: {  	_ =	shalt  }
0x7d: {  	_ =	shalt  }
0x7e: {  	_ =	shalt  }
0x7f: {  	_ =	shalt  }
0x80: {  	_ =	shalt  }
0x81: {  	_ =	shalt  }
0x82: {  	_ =	shalt  }
0x83: {  	_ =	shalt  }
0x84: {  	_ =	shalt  }
0x85: {  	_ =	shalt  }
0x86: {  	_ =	shalt  }
0x87: {  	_ =	shalt  }
.Lfunc_end0:
.L_simem_size_0:
called_computation_lowered:
.L_overlay_start_0:
0x88: {  	s2 =	sld [smem:$0x3FD9]  }
0x89: {  	s3 =	sld [smem:$0x3FFE];
	_ =	sdelay $0x1  }
0x8a: {  	s1 =	srdreg.scid  }
0x8b: {  	s0 =	sand.u32 $0x1, s1  }
0x8c: {  	s17 =	sshll.u32 s0, $0xA;
	s2 =	sadd.s32 s3, s2  }
0x8d: {  	s2 =	sadd.s32 s2, s17  }
0x8e: {  	[smem:$0x3FC4] =	sst s2  }
0x8f: {  	_ = 	snop  }
0x90: {  	s2 =	sld [smem:$0x3FC9]  }
0x91: {  	s18 =	sld [smem:$0x3FC8]  }
0x92: {  	s4 =	sld [smem:$0x3FD0];
	(tm) =	ssettm $0x1  }
0x93: {  	s5 =	sld [smem:$0x3FFB];
	_ =	sdelay $0x3  }
0x94: {  	_ =	strace s5  }
0x95: {  	s5 =	sld [smem:$0x3FFC];
	_ =	sdelay $0x3  }
0x96: {  	_ =	strace s5  }
0x97: {  	s5 =	sld [smem:$0x3FFD];
	_ =	sdelay $0x3  }
0x98: {  	_ =	strace s5  }
0x99: {  	_ =	strace $0x8FFFFFFF  }
0x9a: {  	s19 =	sld [smem:$0x3FDB];
	_ =	sdelay $0x1  }
0x9b: {  	s6 =	simm.s32 $_scs_section_size  }
0x9c: {  	s7 =	simm.s32 $_size__tile_overlayer_lowered;
	s8 =	simm.s32 $_tile_overlayer_lowered  }
0x9d: {  	s22 =	simm.s32 $0x1BFF;
	s21 =	sshll.u32 s8, $0x1;
	s5 =	sadd.s32 s6, s19  }
0x9e: {  	s9 =	simm.s32 $0x0;
	s20 =	sshll.u32 s7, $0x1;
	s7 =	sadd.s32 s21, s5  }
0x9f: {  	[timem:s9], [sflag:s22] =	dma.local [hbm:s7], s20  }
0xa0: {  	_ =	swait.ge [sflag:s22], s20  }
0xa1: {  	s6 =	ssub.s32 $0x0, s20;
	[sflag:s22] =	ssyncset.done $0x0  }
0xa2: {  	[sflag:s22] =	ssyncadd.s32 s6;
	_ =	sdelay $0x1  }
0xa3: {  	s23 =	simm.s32 $0x1B8B  }
0xa4: {  	_ =	swait.ge [sflag:s23], $0x1  }
0xa5: {  	[sflag:s23] =	ssyncset.done $0x0  }
0xa6: {  	s25 =	simm.s32 $0x1B8E;
	s24 =	sld [smem:$0x3FFE];
	[sflag:s23] =	ssyncadd.s32 $0xFFFFFFFF  }
0xa7: {  	s26 =	simm.s32 $execute0_lowered;
	[smem:$0x3FD2] =	sst s25  }
0xa8: {  	s7 =	sshll.u32 s26, $0x1;
	_ =	strace $0x80000046;
	[dreg:$0x1] =	wrdreg $0xFFFFFFFF  }
0xa9: {  	s28 =	simm.s32 $_size_execute0_lowered;
	s5 =	sadd.s32 s5, s7;
	[dreg:$0x0] =	wrdreg $0x0  }
0xaa: {  	s7 =	sshll.u32 s28, $0x1;
	[dreg:$0x2] =	wrdreg s5  }
0xab: {  	[dreg:$0x3] =	wrdreg s7  }
0xac: {  	[dreg:$0x4] =	wrdreg $0xC0  }
0xad: {  	_ =	task [dreg:s9], $0x5FFFF  }
0xae: {  	[dreg:$0x1] =	wrdreg $0xFFFFFFFF  }
0xaf: {  	[dreg:$0x0] =	wrdreg $0x60  }
0xb0: {  	[dreg:$0x2] =	wrdreg s2  }
0xb1: {  	[dreg:$0x3] =	wrdreg s18  }
0xb2: {  	[dreg:$0x4] =	wrdreg s24  }
0xb3: {  	[dreg:$0x5] =	wrdreg s4  }
0xb4: {  	[dreg:$0x6] =	wrdreg $0x9  }
0xb5: {  	_ =	task.clear_ibuf [dreg:s9], $0x7FFFF;
	_ =	strace $0x90000046  }
0xb6: {  	s29 =	simm.s32 $0x9;
	_ =	strace $0x80000048  }
0xb7: {  	_ =	swait.ge [sflag:s29], $0x1  }
0xb8: {  	[sflag:s29] =	ssyncadd.s32 $0xFFFFFFFF  }
0xb9: {  	_ =	strace $0x90000048  }
0xba: {  	_ =	sfence  }
0xbb: {  	s30 =	sld [smem:$0x0];
	_ =	sdelay $0x2  }
0xbc: {  	s31 =	sshll.u32 s1, $0xD;
	s1 =	sshrl.u32 s1, $0x2  }
0xbd: {  	s3 =	sand.u32 $0x4000, s31;
	s1 =	sadd.s32 s1, s30  }
0xbe: {  	s0 =	sor.u32 s3, s0;
	s1 =	sshll.u32 s1, $0x11  }
0xbf: {  	s0 =	sor.u32 s1, s0  }
0xc0: {  	s0 =	sadd.s32 $0x8F2B, s0  }
0xc1: {  	[sflag:s0] =	ssyncadd.remote.s32 $0x1  }
0xc2: {  	_ =	sfence.sel $0xFFFF  }
0xc3: {  	[dreg:$0x0] =	wrdreg $0xFFFFFFFF;
	(pc) =	sbr.abs _section_cstart, $3  }
0xc4: {  	[dreg:$0x1] =	wrdreg $0xFFFFFFFF  }
0xc5: {  	_ =	task.clear_ibuf [dreg:s9], $0x2FFFF;
	_ =	strace $0x9FFFFFFF  }
0xc6: {  	(tm) =	ssettm $0x7FFFFFFF  }
0xc7: {  	_ =	shalt  }
tec
execute0_lowered:
.L_overlay_start_1:
0x0: {  	(tag) =	ssettag $0x1  }
0x1: {  	v0 =	vimm.s32 $0x34333231  }
0x2: {  	v1 =	vimm.s32 $0x38373635;
	v2 =	vimm.s32 $0x3C3B3A39;
	v37 =	vimm.s32 $0x3F3E3D  }
0x3: {  	vm0 =	vcmask $0x1F10;
	v48 =	vimm.s32 $0x3D3C3B3A;
	v41 =	vimm.s32 $0x1003F3E  }
0x4: {  	v49 =	vimm.s32 $0x36353433;
	v50 =	vimm.s32 $0x3020100;
	v47 =	vimm.s32 $0x3F3E3D3C  }
0x5: {  	v0 =	vunpack.c.0.s8.s32 v0;
	v17 =	vunpack.c.0.s8.s32 v1;
	v40 =	vunpack.c.0.s8.s32 v2  }
0x6: {  	v1 =	vunpack.c.0.s8.s32 v37;
	v2 =	vimm.s32 $0x35343332;
	v42 =	vunpack.c.0.s8.s32 v41  }
0x7: {  	v41 =	vimm.s32 $0x3A393837;
	v26 =	vunpack.c.0.s8.s32 v47;
	v2 =	vunpack.c.0.s8.s32 v2  }
0x8: {  	v31 =	vunpack.c.0.s8.s32 v41;
	[tilespmem:$0x1FD10] =	vst v17;
	v0 =	vsel vm0, v17, v0;
	v17 =	vimm.s32 $0x39383736  }
0x9: {  	[tilespmem:$0x1FD20] =	vst v40;
	v37 =	vsel vm0, v1, v40;
	v40 =	vunpack.c.0.s8.s32 v48;
	v45 =	vunpack.c.0.s8.s32 v17  }
0xa: {  	v48 =	vimm.s32 $0x37363534;
	v52 =	vcombine.low v0, v37;
	v17 =	vimm.s32 $0x201003F  }
0xb: {  	v33 =	vunpack.c.0.s8.s32 v48;
	v0 =	vsel vm0, v45, v2;
	v2 =	vsel vm0, v42, v40  }
0xc: {  	v38 =	vcombine.low v0, v2;
	v0 =	vunpack.c.0.s8.s32 v49;
	v49 =	vimm.s32 $0x3B3A3938  }
0xd: {  	[tilespmem:$0x1FD40] =	vst v40;
	v40 =	vunpack.c.0.s8.s32 v50;
	v50 =	vimm.s32 $0x5040302;
	v36 =	vunpack.c.0.s8.s32 v49  }
0xe: {  	v29 =	vunpack.c.0.s8.s32 v17;
	[tilespmem:$0x1FD30] =	vst v45;
	v45 =	vimm.s32 $0x87654321;
	v47 =	vunpack.c.0.s8.s32 v50  }
0xf: {  	s5 =	rddreg [dreg:$0x0];
	v40 =	vsel vm0, v40, v26;
	v49 =	vimm.s32 $0x4030201;
	v17 =	vsel vm0, v36, v33  }
0x10: {  	s6 =	rddreg [dreg:$0x1];
	[tilespmem:$0x1FD80] =	vst v26;
	v41 =	vunpack.c.l.s4.s8 v45;
	v45 =	vcombine.low v17, v40;
	v40 =	vunpack.c.0.s8.s32 v49  }
0x11: {  	s4 =	rddreg [dreg:$0x2];
	[tilespmem:$0x1FD50] =	vst v36;
	v36 =	vsel vm0, v47, v42  }
0x12: {  	s7 =	rddreg [dreg:$0x3];
	s1 =	simm.s32 $0x0;
	[tilespmem:$0x1FD70] =	vst v36;
	v40 =	vsel vm0, v40, v1  }
0x13: {  	[smem:$0x7FF] =	sst s1;
	[tilespmem:$0x1FD60] =	vst v40  }
0x14: {  	v13 =	vlaneseq.u32;
	s0 =	rddreg [dreg:$0x4];
	v0 =	vsel vm0, v31, v0;
	_ =	strace $0x80000047;
	[tilespmem:$0x1FD90] =	vst v31  }
0x15: {  	v32 =	vmul.u32 $0x80, v13;
	[tilespmem:$0x1FDA0] =	vst v0  }
0x16: {  	[tilespmem:$0x1FDC0] =	vst v29  }
0x17: {  	v21 =	vadd.s32 $0x1B, v13;
	[tilespmem:$0x1FE50] =	vst v32  }
0x18: {  	v34 =	vadd.s32 $0x1E, v13;
	[tilespmem:$0x1FE70] =	vst v21  }
0x19: {  	v16 =	vadd.s32 $0x7, v13;
	[tilespmem:$0x1FE80] =	vst v34  }
0x1a: {  	v19 =	vadd.s32 $0xB, v13;
	[tilespmem:$0x1FE90] =	vst v16  }
0x1b: {  	vm1 =	vcmask $0x2F10;
	v15 =	vadd.s32 $0xC, v13;
	[tilespmem:$0x1FEB0] =	vst v19  }
0x1c: {  	vm2 =	vcmask $0x3F30;
	v57 =	vadd.s32 $0x8, v13;
	v18 =	vadd.s32 $0xA, v13;
	[tilespmem:$0x1FEC0] =	vst v15  }
0x1d: {  	v53 =	vadd.s32 $0x9, v13;
	v11 =	vadd.s32 $0xD, v13;
	v54 =	vadd.s32 $0xE, v13;
	[tilespmem:$0x1FED0] =	vst v18  }
0x1e: {  	v7 =	vadd.s32 $0xF, v13;
	v9 =	vor.u32 $0x10, v13;
	v60 =	vadd.s32 $0x12, v13;
	[tilespmem:$0x1FEE0] =	vst v11  }
0x1f: {  	v51 =	vadd.s32 $0x13, v13;
	v3 =	vadd.s32 $0x14, v13;
	v22 =	vadd.s32 $0x25, v13;
	[tilespmem:$0x1FF00] =	vst v54  }
0x20: {  	v25 =	vadd.s32 $0x16, v13;
	v41 =	vunpack.c.0.s8.s32 v41;
	v49 =	vimm.s32 $0x43218765;
	[tilespmem:$0x1FF10] =	vst v22  }
0x21: {  	v44 =	vadd.s32 $0x1A, v13;
	v35 =	vadd.s32 $0x1D, v13;
	v17 =	vimm.s32 $0x32107654;
	[tilespmem:$0x1FF20] =	vst v7  }
0x22: {  	v33 =	vimm.s32 $0x98765432;
	v41 =	vand.u32 $0xF, v41;
	v17 =	vunpack.c.l.s4.s8 v17;
	[tilespmem:$0x1FF30] =	vst v9  }
0x23: {  	v48 =	vunpack.c.l.s4.s8 v33;
	v36 =	vcombine.low v37, v41;
	v41 =	vunpack.c.l.s4.s8 v49;
	v49 =	vmovc v25;
	[tilespmem:$0x1FF40] =	vst v51  }
0x24: {  	v61 =	vadd.s32 $0x22, v13;
	v30 =	vadd.s32 $0x23, v13;
	v17 =	vunpack.c.0.s8.s32 v17;
	[tilespmem:$0x1FF50] =	vst v49  }
0x25: {  	v20 =	vadd.s32 $0x26, v13;
	v50 =	vimm.s32 $0x54329876;
	v47 =	vunpack.c.0.s8.s32 v48;
	[tilespmem:$0x1FF60] =	vst v3  }
0x26: {  	v41 =	vunpack.c.0.s8.s32 v41;
	[tilespmem:$0x1FF70] =	vst v44;
	v48 =	vand.u32 $0xF, v17;
	v17 =	vimm.s32 $0xB0A0908  }
0x27: {  	v37 =	vand.u32 $0xF, v47;
	v47 =	vimm.s32 $0x6543A987;
	[tilespmem:$0x1FF80] =	vst v53;
	v17 =	vunpack.c.0.s8.s32 v17  }
0x28: {  	[tilespmem:$0x1FF90] =	vst v52;
	v40 =	vsel vm1, v48, v26;
	v26 =	vcombine.low v2, v37;
	v2 =	vunpack.c.l.s4.s8 v50  }
0x29: {  	[tilespmem:$0x1FFA0] =	vst v30;
	v33 =	vand.u32 $0xF, v41;
	v27 =	vsel vm2, v17, v40;
	v17 =	vimm.s32 $0xC0B0A09  }
0x2a: {  	[tilespmem:$0x1FFB0] =	vst v61;
	v41 =	vunpack.c.l.s4.s8 v47;
	v2 =	vunpack.c.0.s8.s32 v2;
	v17 =	vunpack.c.0.s8.s32 v17  }
0x2b: {  	v25 =	vimm.s32 $0xD0C0B0A;
	v31 =	vmovc v20;
	v20 =	vadd.s32 $0x28, v13;
	[tilespmem:$0x1FFC0] =	vst v60;
	v1 =	vsel vm1, v33, v1  }
0x2c: {  	[tilespmem:$0x1FFE0] =	vst v35;
	v24 =	vsel vm2, v17, v1;
	v1 =	vand.u32 $0xF, v2;
	v2 =	vunpack.c.0.s8.s32 v41  }
0x2d: {  	v48 =	vimm.s32 $0x6050403;
	v50 =	vimm.s32 $0xA9876543;
	v17 =	vimm.s32 $0xE0D0C0B  }
0x2e: {  	[tilespmem:$0x1FEF0] =	vst v20;
	v33 =	vunpack.c.0.s8.s32 v25;
	v25 =	vunpack.c.0.s8.s32 v17;
	v2 =	vand.u32 $0xF, v2  }
0x2f: {  	v47 =	vunpack.c.0.s8.s32 v48;
	[tilespmem:$0x1FFD0] =	vst v26;
	v41 =	vadd.s32 $0x2D, v13;
	v2 =	vsel vm1, v2, v29  }
0x30: {  	v1 =	vsel vm1, v1, v42;
	[tilespmem:$0x1FE30] =	vst v41;
	v17 =	vmovc v57;
	v48 =	vsel vm2, v25, v2;
	v2 =	vimm.s32 $0x3E3D3C3B  }
0x31: {  	v42 =	vsel vm2, v33, v1;
	v1 =	vimm.s32 $0x76543210;
	[tilespmem:$0x1FFF0] =	vst v17;
	v0 =	vunpack.c.0.s8.s32 v2  }
0x32: {  	v4 =	vadd.s32 $0x1, v13;
	v37 =	vunpack.c.l.s4.s8 v50;
	v1 =	vunpack.c.l.s4.s8 v1;
	[tilespmem:$0x1FE60] =	vst v48  }
0x33: {  	v5 =	vadd.s32 $0x2, v13;
	v6 =	vadd.s32 $0x3, v13;
	[tilespmem:$0x1FDB0] =	vst v0;
	v0 =	vsel vm0, v47, v29  }
0x34: {  	s2 =	srdreg.scid;
	s12 =	simm.s32 $0x400;
	v37 =	vunpack.c.0.s8.s32 v37;
	v29 =	vadd.s32 $0x2B, v13;
	[tilespmem:$0x1FDD0] =	vst v0;
	v0 =	vunpack.c.0.s8.s32 v1  }
0x35: {  	s13 =	simm.s32 $0x4400;
	s14 =	simm.s32 $0x1;
	s15 =	simm.s32 $0x8400;
	v8 =	vadd.s32 $0x4, v13;
	v10 =	vadd.s32 $0x5, v13;
	v12 =	vadd.s32 $0x6, v13;
	[tilespmem:$0x1FEA0] =	vst v29  }
0x36: {  	s16 =	simm.s32 $0x0;
	v46 =	vadd.s32 $0x11, v13;
	v62 =	vadd.s32 $0x15, v13;
	s8 =	sand.u32 $0x1, s2;
	s3 =	sadd.s32 $0x400, s4;
	[tilespmem:$0x1FDE0] =	vst v0;
	v0 =	vand.u32 $0xF, v37  }
0x37: {  	v63 =	vadd.s32 $0x17, v13;
	v58 =	vadd.s32 $0x18, v13;
	s2 =	stileid.u32;
	s4 =	sadd.s32 $0x188400, s4;
	s9 =	ssub.s32 $0x2, s8;
	v37 =	vadd.s32 $0x2C, v13;
	[tilespmem:$0x1FDF0] =	vst v0  }
0x38: {  	v43 =	vadd.s32 $0x19, v13;
	v23 =	vadd.s32 $0x1C, v13;
	s11 =	sshll.u32 s2, $0x7;
	s8 =	sshll.u32 s8, $0x6;
	s10 =	sshrl.u32 s9, $0x1;
	v0 =	vadd.s32 $0x2E, v13;
	[tilespmem:$0x1FE40] =	vst v37  }
0x39: {  	v55 =	vadd.s32 $0x1F, v13;
	v56 =	vor.u32 $0x20, v13;
	s8 =	sor.u32 s8, s11;
	s11 =	simm.s32 $0x80;
	s9 =	ssub.s32 s9, s10;
	[tilespmem:$0x1FE00] =	vst v0;
	v0 =	vadd.s32 $0x2F, v13  }
0x3a: {  	v28 =	vadd.s32 $0x21, v13;
	v59 =	vadd.s32 $0x24, v13;
	s5 =	sadd.s32 s5, s8;
	s6 =	sadd.s32 s6, s8;
	s7 =	sadd.s32 s7, s8;
	[tilespmem:$0x1FE10] =	vst v0;
	v0 =	vor.u32 $0x30, v13  }
0x3b: {  	s10 =	simm.s32 $0x200;
	s8 =	smax.u32 s9, $0x1;
	s9 =	simm.s32 $0x2;
	v33 =	vadd.s32 $0x2A, v13;
	v57 =	vadd.s32 $0x27, v13;
	v25 =	vadd.s32 $0x29, v13;
	v1 =	vmovc v32;
	[tilespmem:$0x1FE20] =	vst v0  }
.LBB2_1:
0x3c: {  	[tilespmem:s1], [sflag:$0x2] =	stream.linear.gather [hbm4b:s5+s1], $0x200, $0x38;
	[tilespmem:$0x8600] =	vst v63  }
0x3d: {  	_ =	swait.ge [sflag:s9], $0x200  }
0x3e: {  	[sflag:s9] =	ssyncset.done $0x0  }
0x3f: {  	[sflag:s9] =	ssyncadd.s32 $0xFFFFFE00  }
0x40: {  	[tilespmem:s10], [sflag:$0x2] =	stream.linear.gather [hbm4b:s6+s1], $0x200, $0x38;
	[tilespmem:$0x8600] =	vst v63  }
0x41: {  	_ =	swait.ge [sflag:s9], $0x200  }
0x42: {  	v0 =	vmov v44;
	[sflag:s9] =	ssyncset.done $0x0  }
0x43: {  	s17 =	simm.s32 $0x8400;
	s18 =	simm.s32 $0x0;
	v47 =	vmovc v60;
	v2 =	vmovc v51;
	v40 =	vmov v61;
	v44 =	vmov v59;
	v50 =	vmov v36;
	[sflag:s9] =	ssyncadd.s32 $0xFFFFFE00  }
.LBB2_2:
0x44: {  	s19 =	sshll.u32 s18, $0x7;
	s20 =	simm.s32 $0x0  }
0x45: {  	[tilespmem:s12], [sflag:$0x1] =	stream.indirect.gather [hbm4b:s3+s11], $0x80, s19, s11, $0xb8;
	[tilespmem:$0x8600] =	vst v63  }
0x46: {  	v51 =	vmov v38;
	v38 =	vmov v0;
	s19 =	sadd.s32 $0x200, s19;
	v0 =	vmov s20  }
0x47: {  	v0 =	vshll.u32 v0, $0x7;
	[tilespmem:s13], [sflag:$0x1] =	stream.indirect.gather [hbm4b:s4+s11], $0x80, s19, s11, $0xb8;
	[tilespmem:$0x8600] =	vst v63  }
0x48: {  	v1 =	vor.u32 v1, v0;
	_ =	swait.ge [sflag:s14], $0x4000  }
0x49: {  	v0 =	vor.u32 v13, v1;
	[sflag:s14] =	ssyncset.done $0x0  }
0x4a: {  	[sflag:s14] =	ssyncadd.s32 $0xFFFFC000  }
0x4b: {  	_ =	swait.ge [sflag:s14], $0x4000  }
0x4c: {  	[sflag:s14] =	ssyncset.done $0x0  }
0x4d: {  	[sflag:s14] =	ssyncadd.s32 $0xFFFFC000  }
0x4e: {  	v36 =	vld.idx.msk [tilespmem:v0+s13+$0x0], $0xffff  }
0x4f: {  	v59 =	vor.u32 v5, v1;
	v0 =	vld.idx.msk [tilespmem:v0+s12+$0x0], $0xffff;
	_ =	sdelay $0x2  }
0x50: {  	v14 =	vmov v2;
	v2 =	vor.u32 v4, v1;
	_ =	sdelay $0x1  }
0x51: {  	[tilespmem:$0x1FB10] =	vst v0;
	v0 =	vld.idx.msk [tilespmem:v59+s12+$0x0], $0xffff;
	_ =	sdelay $0x2  }
0x52: {  	v32 =	vmov v62;
	v62 =	vld.idx.msk [tilespmem:v2+s12+$0x0], $0xffff  }
0x53: {  	v60 =	vld.idx.msk [tilespmem:v2+s13+$0x0], $0xffff  }
0x54: {  	[tilespmem:$0x1FB20] =	vst v0;
	v0 =	vld.idx.msk [tilespmem:v59+s13+$0x0], $0xffff  }
0x55: {  	v59 =	vld [tilespmem:$0x1FB10];
	_ =	sdelay $0x2  }
0x56: {  	v61 =	vor.u32 v6, v1  }
0x57: {  	v52 =	vmovc v34;
	v34 =	vmov v21;
	v21 =	vmov v63;
	v63 =	vor.u32 v8, v1  }
0x58: {  	v60 =	vmul.f32 v60, v62;
	v59 =	vmul.f32 v36, v59  }
0x59: {  	[tilespmem:$0x1FB30] =	vst v0;
	v0 =	vor.u32 v10, v1;
	v36 =	vld [tilespmem:$0x1FB20]  }
0x5a: {  	v59 =	vadd.f32 v60, v59;
	v60 =	vld [tilespmem:$0x1FB30]  }
0x5b: {  	v2 =	vld.idx.msk [tilespmem:v61+s12+$0x0], $0xffff  }
0x5c: {  	v39 =	vld.idx.msk [tilespmem:v63+s12+$0x0], $0xffff  }
0x5d: {  	v62 =	vld.idx.msk [tilespmem:v63+s13+$0x0], $0xffff  }
0x5e: {  	v63 =	vor.u32 v16, v1;
	v16 =	vld.idx.msk [tilespmem:v0+s12+$0x0], $0xffff  }
0x5f: {  	v0 =	vld.idx.msk [tilespmem:v0+s13+$0x0], $0xffff;
	v60 =	vmul.f32 v60, v36  }
0x60: {  	v61 =	vld.idx.msk [tilespmem:v61+s13+$0x0], $0xffff;
	[tilespmem:$0x1FB40] =	vst v2  }
0x61: {  	v59 =	vadd.f32 v60, v59;
	v60 =	vld [tilespmem:$0x1FB40]  }
0x62: {  	v2 =	vor.u32 v12, v1;
	_ =	sdelay $0x1  }
0x63: {  	[tilespmem:$0x1FB50] =	vst v0;
	v0 =	vor.u32 v17, v1;
	_ =	sdelay $0x1  }
0x64: {  	v60 =	vmul.f32 v61, v60  }
0x65: {  	v36 =	vld.idx.msk [tilespmem:v2+s12+$0x0], $0xffff  }
0x66: {  	v59 =	vadd.f32 v60, v59;
	v60 =	vld [tilespmem:$0x1FB50]  }
0x67: {  	v61 =	vor.u32 v53, v1;
	v53 =	vmul.f32 v62, v39;
	v39 =	vld.idx.msk [tilespmem:v0+s12+$0x0], $0xffff  }
0x68: {  	v0 =	vld.idx.msk [tilespmem:v0+s13+$0x0], $0xffff;
	_ =	sdelay $0x1  }
0x69: {  	v2 =	vld.idx.msk [tilespmem:v2+s13+$0x0], $0xffff;
	[tilespmem:$0x1FB60] =	vst v36  }
0x6a: {  	v16 =	vmul.f32 v60, v16;
	v60 =	vld [tilespmem:$0x1FB60]  }
0x6b: {  	v36 =	vld.idx.msk [tilespmem:v63+s12+$0x0], $0xffff  }
0x6c: {  	v62 =	vld.idx.msk [tilespmem:v63+s13+$0x0], $0xffff;
	[tilespmem:$0x1FB70] =	vst v0;
	v0 =	vor.u32 v19, v1  }
0x6d: {  	v59 =	vadd.f32 v53, v59;
	_ =	sdelay $0x1  }
0x6e: {  	v63 =	vor.u32 v18, v1;
	v59 =	vadd.f32 v16, v59;
	v2 =	vmul.f32 v2, v60  }
0x6f: {  	v53 =	vld.idx.msk [tilespmem:v61+s12+$0x0], $0xffff  }
0x70: {  	v2 =	vadd.f32 v2, v59;
	v59 =	vmul.f32 v62, v36;
	v36 =	vld.idx.msk [tilespmem:v0+s12+$0x0], $0xffff  }
0x71: {  	v0 =	vld.idx.msk [tilespmem:v0+s13+$0x0], $0xffff  }
0x72: {  	v2 =	vadd.f32 v59, v2;
	v59 =	vld [tilespmem:$0x1FB70]  }
0x73: {  	v16 =	vld.idx.msk [tilespmem:v63+s12+$0x0], $0xffff  }
0x74: {  	v60 =	vld.idx.msk [tilespmem:v61+s13+$0x0], $0xffff;
	v61 =	vor.u32 v15, v1  }
0x75: {  	v62 =	vld.idx.msk [tilespmem:v63+s13+$0x0], $0xffff;
	v63 =	vor.u32 v11, v1;
	_ =	sdelay $0x1  }
0x76: {  	[tilespmem:$0x1FB80] =	vst v0;
	v0 =	vor.u32 v54, v1;
	v59 =	vmul.f32 v59, v39;
	_ =	sdelay $0x1  }
0x77: {  	v39 =	vld.idx.msk [tilespmem:v61+s12+$0x0], $0xffff;
	v2 =	vadd.f32 v59, v2;
	v59 =	vmul.f32 v60, v53  }
0x78: {  	v53 =	vld.idx.msk [tilespmem:v63+s12+$0x0], $0xffff  }
0x79: {  	v2 =	vadd.f32 v59, v2;
	v59 =	vmul.f32 v62, v16;
	v62 =	vld.idx.msk [tilespmem:v63+s13+$0x0], $0xffff  }
0x7a: {  	v16 =	vld.idx.msk [tilespmem:v0+s12+$0x0], $0xffff  }
0x7b: {  	v2 =	vadd.f32 v59, v2;
	v59 =	vld [tilespmem:$0x1FB80]  }
0x7c: {  	v63 =	vor.u32 v9, v1;
	v0 =	vld.idx.msk [tilespmem:v0+s13+$0x0], $0xffff  }
0x7d: {  	v60 =	vld.idx.msk [tilespmem:v61+s13+$0x0], $0xffff;
	v61 =	vor.u32 v7, v1;
	_ =	sdelay $0x2  }
0x7e: {  	v59 =	vmul.f32 v59, v36  }
0x7f: {  	[tilespmem:$0x1FB90] =	vst v0;
	v0 =	vor.u32 v46, v1;
	v53 =	vmul.f32 v62, v53;
	v62 =	vld.idx.msk [tilespmem:v63+s13+$0x0], $0xffff  }
0x80: {  	v36 =	vld.idx.msk [tilespmem:v61+s12+$0x0], $0xffff;
	v2 =	vadd.f32 v59, v2;
	v59 =	vmul.f32 v60, v39  }
0x81: {  	v60 =	vld.idx.msk [tilespmem:v61+s13+$0x0], $0xffff;
	v61 =	vor.u32 v47, v1  }
0x82: {  	v2 =	vadd.f32 v59, v2;
	v59 =	vld [tilespmem:$0x1FB90]  }
0x83: {  	v39 =	vld.idx.msk [tilespmem:v63+s12+$0x0], $0xffff;
	v63 =	vor.u32 v14, v1  }
0x84: {  	v14 =	vld.idx.msk [tilespmem:v0+s12+$0x0], $0xffff  }
0x85: {  	v2 =	vadd.f32 v53, v2;
	v53 =	vld.idx.msk [tilespmem:v0+s13+$0x0], $0xffff;
	v0 =	vor.u32 v3, v1  }
0x86: {  	v3 =	vld.idx.msk [tilespmem:v61+s12+$0x0], $0xffff  }
0x87: {  	v36 =	vmul.f32 v60, v36;
	v60 =	vld.idx.msk [tilespmem:v61+s13+$0x0], $0xffff;
	v61 =	vor.u32 v32, v1;
	v16 =	vmul.f32 v59, v16  }
0x88: {  	v59 =	vmul.f32 v62, v39;
	v62 =	vld.idx.msk [tilespmem:v63+s13+$0x0], $0xffff  }
0x89: {  	v2 =	vadd.f32 v16, v2;
	v16 =	vld.idx.msk [tilespmem:v63+s12+$0x0], $0xffff;
	v63 =	vor.u32 v49, v1  }
0x8a: {  	v39 =	vld.idx.msk [tilespmem:v0+s13+$0x0], $0xffff  }
0x8b: {  	v2 =	vadd.f32 v36, v2;
	v36 =	vld.idx.msk [tilespmem:v0+s12+$0x0], $0xffff;
	v0 =	vor.u32 v21, v1  }
0x8c: {  	v53 =	vmul.f32 v53, v14;
	v14 =	vld.idx.msk [tilespmem:v61+s12+$0x0], $0xffff  }
0x8d: {  	v49 =	vmul.f32 v60, v3;
	v60 =	vld.idx.msk [tilespmem:v61+s13+$0x0], $0xffff;
	v61 =	vor.u32 v58, v1;
	v2 =	vadd.f32 v59, v2  }
0x8e: {  	v3 =	vld.idx.msk [tilespmem:v63+s12+$0x0], $0xffff  }
0x8f: {  	v2 =	vadd.f32 v53, v2;
	v53 =	vmul.f32 v62, v16;
	v62 =	vld.idx.msk [tilespmem:v63+s13+$0x0], $0xffff;
	v63 =	vor.u32 v43, v1  }
0x90: {  	v16 =	vld.idx.msk [tilespmem:v0+s12+$0x0], $0xffff  }
0x91: {  	v2 =	vadd.f32 v49, v2;
	v49 =	vmul.f32 v39, v36;
	v39 =	vld.idx.msk [tilespmem:v0+s13+$0x0], $0xffff;
	v0 =	vor.u32 v38, v1  }
0x92: {  	v36 =	vld.idx.msk [tilespmem:v61+s12+$0x0], $0xffff  }
0x93: {  	v2 =	vadd.f32 v53, v2;
	v53 =	vmul.f32 v60, v14;
	v60 =	vld.idx.msk [tilespmem:v61+s13+$0x0], $0xffff  }
0x94: {  	v61 =	vor.u32 v34, v1;
	v14 =	vld.idx.msk [tilespmem:v63+s12+$0x0], $0xffff  }
0x95: {  	v2 =	vadd.f32 v49, v2;
	v49 =	vmul.f32 v62, v3;
	v62 =	vld.idx.msk [tilespmem:v63+s13+$0x0], $0xffff  }
0x96: {  	v63 =	vor.u32 v55, v1;
	v3 =	vld.idx.msk [tilespmem:v0+s12+$0x0], $0xffff  }
0x97: {  	v34 =	vmul.f32 v39, v16;
	v39 =	vld.idx.msk [tilespmem:v0+s13+$0x0], $0xffff;
	v0 =	vor.u32 v35, v1  }
0x98: {  	v2 =	vadd.f32 v53, v2;
	v53 =	vor.u32 v23, v1  }
0x99: {  	v16 =	vld.idx.msk [tilespmem:v61+s12+$0x0], $0xffff  }
0x9a: {  	v36 =	vmul.f32 v60, v36;
	v60 =	vld.idx.msk [tilespmem:v61+s13+$0x0], $0xffff;
	v2 =	vadd.f32 v49, v2  }
0x9b: {  	v49 =	vor.u32 v52, v1;
	v52 =	vmul.f32 v62, v14;
	v62 =	vld.idx.msk [tilespmem:v63+s13+$0x0], $0xffff  }
0x9c: {  	v2 =	vadd.f32 v34, v2;
	v14 =	vld.idx.msk [tilespmem:v0+s12+$0x0], $0xffff  }
0x9d: {  	v34 =	vld.idx.msk [tilespmem:v53+s12+$0x0], $0xffff  }
0x9e: {  	v53 =	vld.idx.msk [tilespmem:v53+s13+$0x0], $0xffff;
	v2 =	vadd.f32 v36, v2  }
0x9f: {  	v35 =	vmul.f32 v39, v3;
	v36 =	vld.idx.msk [tilespmem:v0+s13+$0x0], $0xffff  }
0xa0: {  	v0 =	vor.u32 v56, v1;
	v39 =	vmul.f32 v60, v16;
	v16 =	vld.idx.msk [tilespmem:v63+s12+$0x0], $0xffff;
	v2 =	vadd.f32 v52, v2  }
0xa1: {  	v3 =	vld.idx.msk [tilespmem:v49+s12+$0x0], $0xffff  }
0xa2: {  	v63 =	vor.u32 v40, v1;
	v49 =	vld.idx.msk [tilespmem:v49+s13+$0x0], $0xffff;
	v2 =	vadd.f32 v35, v2  }
0xa3: {  	v52 =	vor.u32 v28, v1  }
0xa4: {  	v53 =	vmul.f32 v53, v34;
	v2 =	vadd.f32 v39, v2  }
0xa5: {  	v34 =	vld.idx.msk [tilespmem:v0+s12+$0x0], $0xffff  }
0xa6: {  	v35 =	vmul.f32 v36, v14;
	v40 =	vld.idx.msk [tilespmem:v0+s13+$0x0], $0xffff;
	v0 =	vor.u32 v30, v1;
	v2 =	vadd.f32 v53, v2  }
0xa7: {  	v49 =	vmul.f32 v49, v3;
	v3 =	vld.idx.msk [tilespmem:v63+s12+$0x0], $0xffff  }
0xa8: {  	v14 =	vld.idx.msk [tilespmem:v52+s12+$0x0], $0xffff;
	v53 =	vor.u32 v44, v1;
	v2 =	vadd.f32 v35, v2  }
0xa9: {  	v52 =	vld.idx.msk [tilespmem:v52+s13+$0x0], $0xffff  }
0xaa: {  	v35 =	vmul.f32 v62, v16;
	v62 =	vld.idx.msk [tilespmem:v63+s13+$0x0], $0xffff;
	v63 =	vor.u32 v22, v1;
	v2 =	vadd.f32 v49, v2  }
0xab: {  	v16 =	vld.idx.msk [tilespmem:v0+s12+$0x0], $0xffff  }
0xac: {  	v39 =	vmul.f32 v40, v34;
	v40 =	vld.idx.msk [tilespmem:v0+s13+$0x0], $0xffff;
	v0 =	vor.u32 v31, v1;
	v2 =	vadd.f32 v35, v2  }
0xad: {  	v22 =	vld.idx.msk [tilespmem:v53+s12+$0x0], $0xffff  }
0xae: {  	v36 =	vor.u32 v20, v1;
	v49 =	vmul.f32 v52, v14;
	v52 =	vld.idx.msk [tilespmem:v53+s13+$0x0], $0xffff;
	v2 =	vadd.f32 v39, v2  }
0xaf: {  	v53 =	vor.u32 v57, v1;
	v14 =	vld.idx.msk [tilespmem:v63+s12+$0x0], $0xffff  }
0xb0: {  	v35 =	vmul.f32 v62, v3;
	v62 =	vld.idx.msk [tilespmem:v63+s13+$0x0], $0xffff;
	v2 =	vadd.f32 v49, v2  }
0xb1: {  	v3 =	vld.idx.msk [tilespmem:v0+s12+$0x0], $0xffff  }
0xb2: {  	v40 =	vmul.f32 v40, v16;
	v34 =	vld.idx.msk [tilespmem:v0+s13+$0x0], $0xffff;
	v2 =	vadd.f32 v35, v2  }
0xb3: {  	v20 =	vld.idx.msk [tilespmem:v36+s12+$0x0], $0xffff;
	v0 =	vor.u32 v25, v1  }
0xb4: {  	v16 =	vld.idx.msk [tilespmem:v53+s12+$0x0], $0xffff;
	v49 =	vmul.f32 v52, v22;
	v2 =	vadd.f32 v40, v2  }
0xb5: {  	v52 =	vld.idx.msk [tilespmem:v53+s13+$0x0], $0xffff;
	v53 =	vor.u32 v33, v1  }
0xb6: {  	v35 =	vld.idx.msk [tilespmem:v36+s13+$0x0], $0xffff;
	v40 =	vmovc v47;
	v47 =	vmov v33;
	v33 =	vmul.f32 v62, v14;
	v2 =	vadd.f32 v49, v2  }
0xb7: {  	v36 =	vor.u32 v29, v1;
	v39 =	vmul.f32 v34, v3;
	v34 =	vmov v7;
	v7 =	vld [tilespmem:$0x1FE00]  }
0xb8: {  	v22 =	vld.idx.msk [tilespmem:v0+s13+$0x0], $0xffff;
	v2 =	vadd.f32 v33, v2  }
0xb9: {  	v14 =	vld.idx.msk [tilespmem:v0+s12+$0x0], $0xffff  }
0xba: {  	v0 =	vor.u32 v37, v1;
	v3 =	vld.idx.msk [tilespmem:v53+s12+$0x0], $0xffff;
	v49 =	vmul.f32 v52, v16;
	v2 =	vadd.f32 v39, v2  }
0xbb: {  	v60 =	vld.idx.msk [tilespmem:v53+s13+$0x0], $0xffff  }
0xbc: {  	v16 =	vld.idx.msk [tilespmem:v36+s12+$0x0], $0xffff;
	v53 =	vmul.f32 v35, v20;
	v63 =	vor.u32 v7, v1;
	v2 =	vadd.f32 v49, v2  }
0xbd: {  	v62 =	vld.idx.msk [tilespmem:v36+s13+$0x0], $0xffff  }
0xbe: {  	v2 =	vadd.f32 v53, v2;
	v53 =	vld [tilespmem:$0x1FE20]  }
0xbf: {  	v49 =	vld.idx.msk [tilespmem:v0+s12+$0x0], $0xffff  }
0xc0: {  	v35 =	vmul.f32 v22, v14;
	v0 =	vld.idx.msk [tilespmem:v0+s13+$0x0], $0xffff  }
0xc1: {  	v14 =	vld.idx.msk [tilespmem:v63+s12+$0x0], $0xffff  }
0xc2: {  	v52 =	vor.u32 v41, v1;
	v36 =	vmul.f32 v60, v3;
	v2 =	vadd.f32 v35, v2  }
0xc3: {  	v61 =	vor.u32 v53, v1  }
0xc4: {  	v59 =	vmul.f32 v62, v16;
	v2 =	vadd.f32 v36, v2  }
0xc5: {  	[tilespmem:$0x1FBA0] =	vst v0  }
0xc6: {  	[tilespmem:$0x1FBC0] =	vst v14;
	v14 =	vmov v54;
	v54 =	vadd.f32 v59, v2;
	v2 =	vld [tilespmem:$0x1FBA0]  }
0xc7: {  	v3 =	vld.idx.msk [tilespmem:v52+s13+$0x0], $0xffff  }
0xc8: {  	v62 =	vld.idx.msk [tilespmem:v61+s12+$0x0], $0xffff;
	_ =	sdelay $0x2  }
0xc9: {  	v2 =	vmul.f32 v2, v49  }
0xca: {  	v39 =	vld.idx.msk [tilespmem:v52+s12+$0x0], $0xffff;
	[tilespmem:$0x1FBB0] =	vst v3  }
0xcb: {  	[tilespmem:$0x1FBF0] =	vst v62;
	v62 =	vadd.f32 v2, v54;
	v2 =	vld [tilespmem:$0x1FBB0];
	_ =	sdelay $0x2  }
0xcc: {  	v20 =	vmov v41;
	v41 =	vld [tilespmem:$0x1FDB0]  }
0xcd: {  	v16 =	vld [tilespmem:$0x1FDC0]  }
0xce: {  	v60 =	vmul.f32 v2, v39;
	v2 =	vld.idx.msk [tilespmem:v61+s13+$0x0], $0xffff;
	_ =	sdelay $0x3  }
0xcf: {  	v36 =	vsel vm0, v16, v41;
	v16 =	vld [tilespmem:$0x1FD20]  }
0xd0: {  	[tilespmem:$0x1FC00] =	vst v2;
	v2 =	vld [tilespmem:$0x1FD10];
	_ =	sdelay $0x1  }
0xd1: {  	v22 =	vld [tilespmem:$0x1FE10]  }
0xd2: {  	v52 =	vld [tilespmem:$0x1FF90]  }
0xd3: {  	v3 =	vld.idx.msk [tilespmem:v63+s13+$0x0], $0xffff  }
0xd4: {  	v49 =	vsel vm0, v16, v2;
	v2 =	vld [tilespmem:$0x1FBC0];
	_ =	sdelay $0x2  }
0xd5: {  	v0 =	vor.u32 v22, v1;
	_ =	sdelay $0x1  }
0xd6: {  	v63 =	vor.u32 v52, v1;
	v16 =	vmul.f32 v3, v2;
	v2 =	vld [tilespmem:$0x1FD60];
	_ =	sdelay $0x2  }
0xd7: {  	v29 =	vmov v25;
	v25 =	vmov v57;
	v57 =	vmov v37;
	v37 =	vld.idx.msk [tilespmem:v0+s12+$0x0], $0xffff  }
0xd8: {  	v0 =	vld.idx.msk [tilespmem:v0+s13+$0x0], $0xffff  }
0xd9: {  	v61 =	vcombine.low v49, v2;
	v2 =	vld.idx.msk [tilespmem:v63+s13+$0x0], $0xffff;
	_ =	sdelay $0x3  }
0xda: {  	[tilespmem:$0x1FBE0] =	vst v0;
	v49 =	vmov v44;
	v44 =	vld [tilespmem:$0x1FD40]  }
0xdb: {  	v0 =	vor.u32 v51, v1;
	[tilespmem:$0x1FC10] =	vst v2;
	v2 =	vld [tilespmem:$0x1FD30];
	_ =	sdelay $0x4  }
0xdc: {  	v30 =	vmov v56;
	v56 =	vsel vm0, v44, v2;
	v2 =	vld.idx.msk [tilespmem:v0+s12+$0x0], $0xffff;
	_ =	sdelay $0x3  }
0xdd: {  	[tilespmem:$0x1FBD0] =	vst v37;
	v60 =	vadd.f32 v60, v62;
	v62 =	vld [tilespmem:$0x1FBE0]  }
0xde: {  	[tilespmem:$0x1FC20] =	vst v2;
	v2 =	vld [tilespmem:$0x1FBD0];
	_ =	sdelay $0x4  }
0xdf: {  	v37 =	vmul.f32 v62, v2;
	v62 =	vld.idx.msk [tilespmem:v0+s13+$0x0], $0xffff  }
0xe0: {  	v0 =	vld [tilespmem:$0x1FD90]  }
0xe1: {  	v2 =	vld [tilespmem:$0x1FD70];
	_ =	sdelay $0x1  }
0xe2: {  	v59 =	vld [tilespmem:$0x1FDA0]  }
0xe3: {  	v54 =	vld.idx.msk [tilespmem:v63+s12+$0x0], $0xffff  }
0xe4: {  	v63 =	vsel vm0, v41, v0;
	v0 =	vld [tilespmem:$0x1FBF0]  }
0xe5: {  	v7 =	vadd.f32 v16, v60;
	v16 =	vmov v19;
	v19 =	vcombine.low v56, v2;
	v56 =	vld [tilespmem:$0x1FC00];
	_ =	sdelay $0x1  }
0xe6: {  	v59 =	vcombine.low v59, v36;
	_ =	sdelay $0x1  }
0xe7: {  	v39 =	vmov v43;
	v43 =	vor.u32 v59, v1  }
0xe8: {  	v35 =	vmov v23;
	v2 =	vmov v43;
	v23 =	vmul.f32 v56, v0;
	v0 =	vld [tilespmem:$0x1FDD0];
	_ =	sdelay $0x3  }
0xe9: {  	v60 =	vld [tilespmem:$0x1FD50]  }
0xea: {  	v63 =	vcombine.low v63, v0;
	v0 =	vld.idx.msk [tilespmem:v2+s13+$0x0], $0xffff  }
0xeb: {  	v3 =	vor.u32 v45, v1;
	v2 =	vld [tilespmem:$0x1FD80]  }
0xec: {  	v56 =	vmov v3;
	_ =	sdelay $0x3  }
0xed: {  	v7 =	vadd.f32 v37, v7;
	v37 =	vsel vm0, v2, v60;
	v2 =	vld [tilespmem:$0x1FC10]  }
0xee: {  	v44 =	vor.u32 v61, v1;
	v60 =	vld.idx.msk [tilespmem:v56+s13+$0x0], $0xffff  }
0xef: {  	v56 =	vld [tilespmem:$0x1FC20]  }
0xf0: {  	v43 =	vld.idx.msk [tilespmem:v43+s12+$0x0], $0xffff  }
0xf1: {  	v7 =	vadd.f32 v23, v7;
	v23 =	vld.idx.msk [tilespmem:v3+s12+$0x0], $0xffff;
	[tilespmem:$0x1FC30] =	vst v0;
	v0 =	vor.u32 v19, v1  }
0xf2: {  	v3 =	vmul.f32 v2, v54;
	v2 =	vld [tilespmem:$0x1FDE0]  }
0xf3: {  	v54 =	vld.idx.msk [tilespmem:v44+s12+$0x0], $0xffff  }
0xf4: {  	v33 =	vmov v26;
	v26 =	vmov v24;
	v24 =	vmul.f32 v62, v56;
	v62 =	vld.idx.msk [tilespmem:v44+s13+$0x0], $0xffff  }
0xf5: {  	v56 =	vld [tilespmem:$0x1FC30]  }
0xf6: {  	v41 =	vld.idx.msk [tilespmem:v0+s12+$0x0], $0xffff  }
0xf7: {  	v44 =	vld.idx.msk [tilespmem:v0+s13+$0x0], $0xffff;
	v7 =	vadd.f32 v3, v7  }
0xf8: {  	v0 =	vld [tilespmem:$0x1FDF0];
	v37 =	vcombine.low v37, v2;
	v2 =	vor.u32 v63, v1;
	_ =	sdelay $0x1  }
0xf9: {  	v24 =	vadd.f32 v24, v7;
	v43 =	vmul.f32 v56, v43  }
0xfa: {  	v7 =	vmov v28;
	v28 =	vor.u32 v50, v1  }
0xfb: {  	v23 =	vmul.f32 v60, v23;
	v3 =	vor.u32 v37, v1;
	v24 =	vadd.f32 v43, v24  }
0xfc: {  	v60 =	vcombine.low v36, v0;
	v0 =	vld.idx.msk [tilespmem:v2+s13+$0x0], $0xffff  }
0xfd: {  	v23 =	vadd.f32 v23, v24;
	v24 =	vmul.f32 v62, v54  }
0xfe: {  	v43 =	vld.idx.msk [tilespmem:v2+s12+$0x0], $0xffff  }
0xff: {  	v23 =	vadd.f32 v24, v23;
	v24 =	vmul.f32 v44, v41;
	v41 =	vld.idx.msk [tilespmem:v28+s13+$0x0], $0xffff  }
0x100: {  	v54 =	vld.idx.msk [tilespmem:v3+s13+$0x0], $0xffff  }
0x101: {  	[tilespmem:$0x1FC40] =	vst v0;
	v0 =	vld.idx.msk [tilespmem:v3+s12+$0x0], $0xffff  }
0x102: {  	v3 =	vld.idx.msk [tilespmem:v28+s12+$0x0], $0xffff  }
0x103: {  	v2 =	vor.u32 v33, v1;
	v28 =	vld [tilespmem:$0x1FC40];
	_ =	sdelay $0x1  }
0x104: {  	v56 =	vor.u32 v60, v1;
	_ =	sdelay $0x1  }
0x105: {  	v44 =	vor.u32 v27, v1  }
0x106: {  	v23 =	vadd.f32 v24, v23;
	v36 =	vld.idx.msk [tilespmem:v2+s12+$0x0], $0xffff;
	v24 =	vmul.f32 v28, v43  }
0x107: {  	v33 =	vor.u32 v26, v1;
	v43 =	vld.idx.msk [tilespmem:v2+s13+$0x0], $0xffff  }
0x108: {  	v0 =	vmul.f32 v54, v0;
	v28 =	vld.idx.msk [tilespmem:v56+s12+$0x0], $0xffff;
	v24 =	vadd.f32 v24, v23  }
0x109: {  	v2 =	vor.u32 v42, v1;
	v23 =	vld.idx.msk [tilespmem:v56+s13+$0x0], $0xffff  }
0x10a: {  	v41 =	vmul.f32 v41, v3;
	v54 =	vadd.f32 v0, v24;
	v0 =	vld.idx.msk [tilespmem:v44+s12+$0x0], $0xffff  }
0x10b: {  	v1 =	vor.u32 v48, v1;
	v24 =	vld.idx.msk [tilespmem:v44+s13+$0x0], $0xffff  }
0x10c: {  	v62 =	vld.idx.msk [tilespmem:v33+s13+$0x0], $0xffff;
	v43 =	vmul.f32 v43, v36;
	v41 =	vadd.f32 v41, v54  }
0x10d: {  	v3 =	vld.idx.msk [tilespmem:v33+s12+$0x0], $0xffff  }
0x10e: {  	v48 =	vld.idx.msk [tilespmem:v2+s12+$0x0], $0xffff;
	v54 =	vmul.f32 v23, v28;
	v41 =	vadd.f32 v43, v41  }
0x10f: {  	v28 =	vld.idx.msk [tilespmem:v2+s13+$0x0], $0xffff  }
0x110: {  	v23 =	vld.idx.msk [tilespmem:v1+s12+$0x0], $0xffff;
	v2 =	vmul.f32 v24, v0;
	v41 =	vadd.f32 v54, v41  }
0x111: {  	v0 =	vld.idx.msk [tilespmem:v1+s13+$0x0], $0xffff  }
0x112: {  	v1 =	vmul.f32 v62, v3;
	v2 =	vadd.f32 v2, v41;
	_ =	sdelay $0x1  }
0x113: {  	v1 =	vadd.f32 v1, v2;
	v2 =	vmul.f32 v28, v48;
	_ =	sdelay $0x1  }
0x114: {  	v1 =	vadd.f32 v2, v1;
	v2 =	vmul.f32 v0, v23;
	_ =	sdelay $0x1  }
0x115: {  	v1 =	vadd.f32 v2, v1;
	_ =	sdelay $0x1  }
0x116: {  	v1 =	vsub.f32 $0.0e+00, v1;
	_ =	sdelay $0x1  }
0x117: {  	v1 =	vmul.f32 $1.442695020e+00, v1;
	_ =	sdelay $0x1  }
0x118: {  	(erf) = vpow2.f32 v1;
	_ =	sdelay $0x8  }
0x119: {  	v1 =	vpop (erf)  }
0x11a: {  	v1 =	vadd.f32 $1.000000000e+00, v1;
	_ =	sdelay $0x1  }
0x11b: {  	v41 =	vld [tilespmem:$0x1FE50];
	(erf) = vrcp.f32 v1;
	_ =	sdelay $0x1  }
0x11c: {  	s30 =	simm.s32 $0x10  }
0x11d: {  	v1 =	vmov s30  }
0x11e: {  	v1 =	vshll.u32 v1, $0x7  }
0x11f: {  	v1 =	vor.u32 v41, v1  }
0x120: {  	v2 =	vor.u32 v13, v1;
	_ =	sdelay $0x1  }
0x121: {  	v23 =	vor.u32 v4, v1  }
0x122: {  	v0 =	vpop (erf)  }
0x123: {  	v3 =	vor.u32 v5, v1;
	[tilespmem:s17+$0x0] =	vst v0  }
0x124: {  	v0 =	vld.idx.msk [tilespmem:v2+s13+$0x0], $0xffff  }
0x125: {  	v56 =	vld.idx.msk [tilespmem:v2+s12+$0x0], $0xffff;
	v2 =	vor.u32 v6, v1  }
0x126: {  	v36 =	vld.idx.msk [tilespmem:v23+s12+$0x0], $0xffff  }
0x127: {  	v43 =	vld.idx.msk [tilespmem:v23+s13+$0x0], $0xffff  }
0x128: {  	v48 =	vor.u32 v8, v1;
	v23 =	vld.idx.msk [tilespmem:v3+s12+$0x0], $0xffff  }
0x129: {  	v44 =	vor.u32 v10, v1;
	v24 =	vld.idx.msk [tilespmem:v3+s13+$0x0], $0xffff  }
0x12a: {  	v3 =	vld.idx.msk [tilespmem:v2+s12+$0x0], $0xffff  }
0x12b: {  	v28 =	vld.idx.msk [tilespmem:v2+s13+$0x0], $0xffff  }
0x12c: {  	v62 =	vmul.f32 v0, v56;
	v43 =	vmul.f32 v43, v36;
	v36 =	vld [tilespmem:$0x1FE90]  }
0x12d: {  	v33 =	vld.idx.msk [tilespmem:v48+s13+$0x0], $0xffff  }
0x12e: {  	v2 =	vor.u32 v12, v1;
	v23 =	vmul.f32 v24, v23;
	v56 =	vld.idx.msk [tilespmem:v44+s13+$0x0], $0xffff;
	v54 =	vadd.f32 v43, v62  }
0x12f: {  	v43 =	vld.idx.msk [tilespmem:v44+s12+$0x0], $0xffff  }
0x130: {  	v62 =	vor.u32 v17, v1;
	v54 =	vadd.f32 v23, v54;
	v23 =	vmul.f32 v28, v3;
	v3 =	vld [tilespmem:$0x1FF80]  }
0x131: {  	v0 =	vld.idx.msk [tilespmem:v48+s12+$0x0], $0xffff;
	v48 =	vor.u32 v36, v1;
	_ =	sdelay $0x1  }
0x132: {  	v44 =	vld.idx.msk [tilespmem:v2+s12+$0x0], $0xffff  }
0x133: {  	v28 =	vld.idx.msk [tilespmem:v2+s13+$0x0], $0xffff  }
0x134: {  	v17 =	vadd.f32 v23, v54;
	v23 =	vmul.f32 v56, v43;
	v43 =	vld.idx.msk [tilespmem:v62+s13+$0x0], $0xffff;
	v2 =	vor.u32 v3, v1  }
0x135: {  	v0 =	vmul.f32 v33, v0;
	v54 =	vld.idx.msk [tilespmem:v48+s12+$0x0], $0xffff  }
0x136: {  	v56 =	vor.u32 v16, v1;
	v33 =	vld.idx.msk [tilespmem:v48+s13+$0x0], $0xffff  }
0x137: {  	v16 =	vld [tilespmem:$0x1FF50];
	v17 =	vadd.f32 v0, v17;
	v48 =	vor.u32 v18, v1  }
0x138: {  	v0 =	vld.idx.msk [tilespmem:v62+s12+$0x0], $0xffff  }
0x139: {  	v17 =	vadd.f32 v23, v17;
	v23 =	vmul.f32 v28, v44;
	v62 =	vld.idx.msk [tilespmem:v2+s12+$0x0], $0xffff  }
0x13a: {  	v28 =	vld.idx.msk [tilespmem:v2+s13+$0x0], $0xffff;
	v2 =	vor.u32 v15, v1  }
0x13b: {  	v44 =	vor.u32 v11, v1;
	v11 =	vld.idx.msk [tilespmem:v56+s12+$0x0], $0xffff;
	v17 =	vadd.f32 v23, v17;
	v23 =	vmul.f32 v33, v54  }
0x13c: {  	v15 =	vld.idx.msk [tilespmem:v48+s12+$0x0], $0xffff  }
0x13d: {  	v0 =	vmul.f32 v43, v0;
	v33 =	vld.idx.msk [tilespmem:v48+s13+$0x0], $0xffff;
	v48 =	vor.u32 v14, v1;
	v17 =	vadd.f32 v23, v17  }
0x13e: {  	v43 =	vld.idx.msk [tilespmem:v56+s13+$0x0], $0xffff  }
0x13f: {  	v14 =	vadd.f32 v0, v17;
	v0 =	vld.idx.msk [tilespmem:v2+s12+$0x0], $0xffff  }
0x140: {  	v62 =	vmul.f32 v28, v62;
	v54 =	vld.idx.msk [tilespmem:v2+s13+$0x0], $0xffff;
	v2 =	vor.u32 v34, v1  }
0x141: {  	v28 =	vld.idx.msk [tilespmem:v44+s13+$0x0], $0xffff  }
0x142: {  	v56 =	vor.u32 v9, v1;
	v15 =	vmul.f32 v33, v15;
	v9 =	vld.idx.msk [tilespmem:v48+s12+$0x0], $0xffff;
	v17 =	vadd.f32 v62, v14  }
0x143: {  	v14 =	vld.idx.msk [tilespmem:v44+s12+$0x0], $0xffff  }
0x144: {  	v11 =	vmul.f32 v43, v11;
	v48 =	vld.idx.msk [tilespmem:v48+s13+$0x0], $0xffff;
	v15 =	vadd.f32 v15, v17  }
0x145: {  	v44 =	vld.idx.msk [tilespmem:v2+s13+$0x0], $0xffff  }
0x146: {  	v62 =	vor.u32 v46, v1;
	v0 =	vmul.f32 v54, v0;
	v54 =	vld [tilespmem:$0x1FF40];
	v15 =	vadd.f32 v11, v15  }
0x147: {  	v11 =	vld.idx.msk [tilespmem:v2+s12+$0x0], $0xffff  }
0x148: {  	v2 =	vor.u32 v40, v1;
	v14 =	vmul.f32 v28, v14;
	v28 =	vld.idx.msk [tilespmem:v56+s13+$0x0], $0xffff;
	v0 =	vadd.f32 v0, v15  }
0x149: {  	v15 =	vld.idx.msk [tilespmem:v56+s12+$0x0], $0xffff  }
0x14a: {  	v56 =	vadd.f32 v14, v0;
	v0 =	vld [tilespmem:$0x1FF60]  }
0x14b: {  	v9 =	vmul.f32 v48, v9;
	v14 =	vld.idx.msk [tilespmem:v62+s12+$0x0], $0xffff  }
0x14c: {  	v33 =	vor.u32 v54, v1;
	v62 =	vld.idx.msk [tilespmem:v62+s13+$0x0], $0xffff  }
0x14d: {  	v17 =	vadd.f32 v9, v56;
	v9 =	vld.idx.msk [tilespmem:v2+s12+$0x0], $0xffff  }
0x14e: {  	v56 =	vld.idx.msk [tilespmem:v2+s13+$0x0], $0xffff;
	v2 =	vor.u32 v32, v1  }
0x14f: {  	v11 =	vmul.f32 v44, v11;
	v48 =	vor.u32 v0, v1;
	_ =	sdelay $0x1  }
0x150: {  	v15 =	vmul.f32 v28, v15;
	v17 =	vadd.f32 v11, v17;
	v11 =	vld.idx.msk [tilespmem:v33+s12+$0x0], $0xffff  }
0x151: {  	v44 =	vor.u32 v16, v1;
	v28 =	vld.idx.msk [tilespmem:v33+s13+$0x0], $0xffff  }
0x152: {  	v14 =	vmul.f32 v62, v14;
	v17 =	vadd.f32 v15, v17;
	v9 =	vmul.f32 v56, v9;
	v56 =	vld.idx.msk [tilespmem:v2+s13+$0x0], $0xffff  }
0x153: {  	v62 =	vmov v21;
	v21 =	vor.u32 v21, v1;
	v15 =	vld.idx.msk [tilespmem:v48+s12+$0x0], $0xffff  }
0x154: {  	v17 =	vadd.f32 v14, v17;
	v48 =	vld.idx.msk [tilespmem:v48+s13+$0x0], $0xffff  }
0x155: {  	v14 =	vld.idx.msk [tilespmem:v2+s12+$0x0], $0xffff  }
0x156: {  	v2 =	vor.u32 v58, v1;
	v17 =	vadd.f32 v9, v17;
	v9 =	vld.idx.msk [tilespmem:v44+s12+$0x0], $0xffff;
	v11 =	vmul.f32 v28, v11  }
0x157: {  	v28 =	vld.idx.msk [tilespmem:v44+s13+$0x0], $0xffff;
	v44 =	vor.u32 v39, v1  }
0x158: {  	v17 =	vadd.f32 v11, v17;
	v11 =	vld.idx.msk [tilespmem:v21+s12+$0x0], $0xffff  }
0x159: {  	v15 =	vmul.f32 v48, v15;
	v48 =	vld.idx.msk [tilespmem:v21+s13+$0x0], $0xffff  }
0x15a: {  	v21 =	vld [tilespmem:$0x1FE70]  }
0x15b: {  	v14 =	vmul.f32 v56, v14;
	v56 =	vld.idx.msk [tilespmem:v2+s13+$0x0], $0xffff;
	v17 =	vadd.f32 v15, v17  }
0x15c: {  	v9 =	vmul.f32 v28, v9;
	v28 =	vld.idx.msk [tilespmem:v44+s13+$0x0], $0xffff  }
0x15d: {  	v38 =	vor.u32 v38, v1;
	v17 =	vadd.f32 v14, v17;
	v14 =	vld.idx.msk [tilespmem:v44+s12+$0x0], $0xffff  }
0x15e: {  	v23 =	vmov v35;
	v44 =	vor.u32 v35, v1;
	v35 =	vld [tilespmem:$0x1FFE0]  }
0x15f: {  	v15 =	vld.idx.msk [tilespmem:v2+s12+$0x0], $0xffff;
	v2 =	vor.u32 v21, v1  }
0x160: {  	v34 =	vld [tilespmem:$0x1FE80];
	_ =	sdelay $0x1  }
0x161: {  	v11 =	vmul.f32 v48, v11;
	v17 =	vadd.f32 v9, v17;
	v9 =	vld.idx.msk [tilespmem:v38+s12+$0x0], $0xffff  }
0x162: {  	v38 =	vld.idx.msk [tilespmem:v38+s13+$0x0], $0xffff;
	v48 =	vor.u32 v35, v1  }
0x163: {  	v15 =	vmul.f32 v56, v15;
	v17 =	vadd.f32 v11, v17;
	v11 =	vld.idx.msk [tilespmem:v2+s12+$0x0], $0xffff  }
0x164: {  	v43 =	vmov v39;
	v39 =	vld.idx.msk [tilespmem:v2+s13+$0x0], $0xffff;
	v2 =	vor.u32 v34, v1  }
0x165: {  	v14 =	vmul.f32 v28, v14;
	v33 =	vld.idx.msk [tilespmem:v44+s13+$0x0], $0xffff;
	v17 =	vadd.f32 v15, v17  }
0x166: {  	v15 =	vld.idx.msk [tilespmem:v44+s12+$0x0], $0xffff  }
0x167: {  	v9 =	vmul.f32 v38, v9;
	v17 =	vadd.f32 v14, v17;
	v14 =	vld.idx.msk [tilespmem:v48+s12+$0x0], $0xffff  }
0x168: {  	v38 =	vld.idx.msk [tilespmem:v48+s13+$0x0], $0xffff  }
0x169: {  	v44 =	vor.u32 v55, v1;
	v17 =	vadd.f32 v9, v17;
	v9 =	vld.idx.msk [tilespmem:v2+s12+$0x0], $0xffff;
	v11 =	vmul.f32 v39, v11  }
0x16a: {  	v39 =	vld.idx.msk [tilespmem:v2+s13+$0x0], $0xffff  }
0x16b: {  	v40 =	vld [tilespmem:$0x1FFB0];
	v48 =	vmovc v42;
	v42 =	vor.u32 v30, v1;
	v15 =	vmul.f32 v33, v15;
	v17 =	vadd.f32 v11, v17;
	_ =	sdelay $0x1  }
0x16c: {  	v56 =	vmov v30;
	v30 =	vld [tilespmem:$0x1FFA0];
	v17 =	vadd.f32 v15, v17;
	v14 =	vmul.f32 v38, v14  }
0x16d: {  	v28 =	vmov v7;
	v2 =	vor.u32 v7, v1;
	v7 =	vld.idx.msk [tilespmem:v44+s13+$0x0], $0xffff  }
0x16e: {  	v11 =	vld.idx.msk [tilespmem:v44+s12+$0x0], $0xffff;
	v9 =	vmul.f32 v39, v9;
	v14 =	vadd.f32 v14, v17  }
0x16f: {  	v33 =	vor.u32 v40, v1;
	v15 =	vld.idx.msk [tilespmem:v42+s12+$0x0], $0xffff  }
0x170: {  	v17 =	vadd.f32 v9, v14;
	v14 =	vld [tilespmem:$0x1FF10]  }
0x171: {  	v42 =	vld.idx.msk [tilespmem:v42+s13+$0x0], $0xffff  }
0x172: {  	v24 =	vmov v55;
	v55 =	vor.u32 v30, v1;
	v38 =	vld.idx.msk [tilespmem:v2+s12+$0x0], $0xffff  }
0x173: {  	v39 =	vld.idx.msk [tilespmem:v2+s13+$0x0], $0xffff  }
0x174: {  	v2 =	vor.u32 v49, v1;
	v11 =	vmul.f32 v7, v11;
	v7 =	vld.idx.msk [tilespmem:v33+s13+$0x0], $0xffff  }
0x175: {  	v9 =	vld.idx.msk [tilespmem:v33+s12+$0x0], $0xffff;
	v33 =	vor.u32 v14, v1;
	_ =	sdelay $0x1  }
0x176: {  	v15 =	vmul.f32 v42, v15;
	v42 =	vld.idx.msk [tilespmem:v55+s13+$0x0], $0xffff;
	v17 =	vadd.f32 v11, v17  }
0x177: {  	v11 =	vld.idx.msk [tilespmem:v55+s12+$0x0], $0xffff  }
0x178: {  	v17 =	vadd.f32 v15, v17;
	v15 =	vld.idx.msk [tilespmem:v2+s12+$0x0], $0xffff  }
0x179: {  	v9 =	vmul.f32 v7, v9;
	v7 =	vld.idx.msk [tilespmem:v33+s13+$0x0], $0xffff  }
0x17a: {  	v39 =	vmul.f32 v39, v38;
	v2 =	vld.idx.msk [tilespmem:v2+s13+$0x0], $0xffff;
	_ =	sdelay $0x1  }
0x17b: {  	v17 =	vadd.f32 v39, v17  }
0x17c: {  	v44 =	vmov v49;
	v49 =	vld.idx.msk [tilespmem:v33+s12+$0x0], $0xffff  }
0x17d: {  	v11 =	vmul.f32 v42, v11;
	v33 =	vld [tilespmem:$0x1FEF0];
	[tilespmem:$0x1FC60] =	vst v7;
	v7 =	vadd.f32 v9, v17  }
0x17e: {  	[tilespmem:$0x1FC50] =	vst v2  }
0x17f: {  	v17 =	vadd.f32 v11, v7;
	v7 =	vld [tilespmem:$0x1FC50];
	_ =	sdelay $0x2  }
0x180: {  	v39 =	vmov v47;
	v47 =	vor.u32 v33, v1;
	_ =	sdelay $0x1  }
0x181: {  	v7 =	vmul.f32 v7, v15  }
0x182: {  	v55 =	vor.u32 v31, v1  }
0x183: {  	v7 =	vadd.f32 v7, v17  }
0x184: {  	v2 =	vor.u32 v25, v1;
	v15 =	vld.idx.msk [tilespmem:v47+s12+$0x0], $0xffff  }
0x185: {  	[tilespmem:$0x1FC70] =	vst v7;
	v7 =	vld [tilespmem:$0x1FC60];
	_ =	sdelay $0x1  }
0x186: {  	v42 =	vld.idx.msk [tilespmem:v55+s13+$0x0], $0xffff  }
0x187: {  	v9 =	vld.idx.msk [tilespmem:v55+s12+$0x0], $0xffff  }
0x188: {  	v11 =	vld.idx.msk [tilespmem:v2+s12+$0x0], $0xffff  }
0x189: {  	[tilespmem:$0x1FC90] =	vst v15;
	v15 =	vmul.f32 v7, v49;
	v7 =	vld [tilespmem:$0x1FC70]  }
0x18a: {  	v2 =	vld.idx.msk [tilespmem:v2+s13+$0x0], $0xffff;
	_ =	sdelay $0x2  }
0x18b: {  	v55 =	vor.u32 v29, v1  }
0x18c: {  	v9 =	vmul.f32 v42, v9;
	v7 =	vadd.f32 v15, v7  }
0x18d: {  	[tilespmem:$0x1FC80] =	vst v2  }
0x18e: {  	v2 =	vor.u32 v39, v1;
	v9 =	vadd.f32 v9, v7;
	v7 =	vld [tilespmem:$0x1FC80]  }
0x18f: {  	v38 =	vmov v25;
	v25 =	vmov v29;
	v29 =	vld [tilespmem:$0x1FEA0]  }
0x190: {  	v42 =	vld.idx.msk [tilespmem:v55+s13+$0x0], $0xffff  }
0x191: {  	v47 =	vld.idx.msk [tilespmem:v47+s13+$0x0], $0xffff  }
0x192: {  	v49 =	vld.idx.msk [tilespmem:v55+s12+$0x0], $0xffff  }
0x193: {  	v55 =	vor.u32 v57, v1;
	v57 =	vld.idx.msk [tilespmem:v2+s12+$0x0], $0xffff;
	v7 =	vmul.f32 v7, v11  }
0x194: {  	v2 =	vld.idx.msk [tilespmem:v2+s13+$0x0], $0xffff  }
0x195: {  	v15 =	vmov v18;
	v18 =	vadd.f32 v7, v9;
	v9 =	vld [tilespmem:$0x1FC90]  }
0x196: {  	v17 =	vor.u32 v29, v1;
	_ =	sdelay $0x3  }
0x197: {  	[tilespmem:$0x1FCA0] =	vst v2;
	v2 =	vor.u32 v20, v1;
	v9 =	vmul.f32 v47, v9  }
0x198: {  	v20 =	vld.idx.msk [tilespmem:v17+s13+$0x0], $0xffff  }
0x199: {  	v49 =	vmul.f32 v42, v49;
	v7 =	vld [tilespmem:$0x1FE00];
	v9 =	vadd.f32 v9, v18  }
0x19a: {  	v11 =	vld.idx.msk [tilespmem:v17+s12+$0x0], $0xffff  }
0x19b: {  	v18 =	vadd.f32 v49, v9;
	v49 =	vld [tilespmem:$0x1FCA0]  }
0x19c: {  	v17 =	vld.idx.msk [tilespmem:v2+s13+$0x0], $0xffff  }
0x19d: {  	v9 =	vld.idx.msk [tilespmem:v2+s12+$0x0], $0xffff;
	v2 =	vor.u32 v53, v1  }
0x19e: {  	v42 =	vld.idx.msk [tilespmem:v55+s13+$0x0], $0xffff;
	v47 =	vor.u32 v7, v1  }
0x19f: {  	v7 =	vld.idx.msk [tilespmem:v55+s12+$0x0], $0xffff  }
0x1a0: {  	v22 =	vor.u32 v22, v1;
	v55 =	vmul.f32 v49, v57;
	_ =	sdelay $0x1  }
0x1a1: {  	v11 =	vmul.f32 v20, v11;
	v17 =	vmul.f32 v17, v9;
	v9 =	vld.idx.msk [tilespmem:v2+s13+$0x0], $0xffff;
	v57 =	vadd.f32 v55, v18  }
0x1a2: {  	v49 =	vor.u32 v52, v1;
	v18 =	vld.idx.msk [tilespmem:v47+s12+$0x0], $0xffff  }
0x1a3: {  	v47 =	vld.idx.msk [tilespmem:v47+s13+$0x0], $0xffff;
	v20 =	vadd.f32 v11, v57;
	v57 =	vmul.f32 v42, v7  }
0x1a4: {  	v11 =	vld.idx.msk [tilespmem:v22+s12+$0x0], $0xffff;
	v42 =	vor.u32 v51, v1  }
0x1a5: {  	v7 =	vld.idx.msk [tilespmem:v22+s13+$0x0], $0xffff;
	v22 =	vadd.f32 v57, v20  }
0x1a6: {  	v20 =	vld.idx.msk [tilespmem:v2+s12+$0x0], $0xffff;
	v2 =	vor.u32 v59, v1  }
0x1a7: {  	v53 =	vadd.f32 v17, v22;
	v22 =	vld.idx.msk [tilespmem:v49+s12+$0x0], $0xffff  }
0x1a8: {  	[tilespmem:$0x1FCC0] =	vst v61;
	v61 =	vor.u32 v61, v1;
	v18 =	vmul.f32 v47, v18;
	v17 =	vld.idx.msk [tilespmem:v49+s13+$0x0], $0xffff  }
0x1a9: {  	[tilespmem:$0x1FCB0] =	vst v59;
	v57 =	vor.u32 v45, v1;
	v59 =	vld.idx.msk [tilespmem:v42+s12+$0x0], $0xffff  }
0x1aa: {  	v11 =	vmul.f32 v7, v11;
	v42 =	vld.idx.msk [tilespmem:v42+s13+$0x0], $0xffff;
	v53 =	vadd.f32 v18, v53  }
0x1ab: {  	v7 =	vmov v3;
	v3 =	vld.idx.msk [tilespmem:v2+s12+$0x0], $0xffff  }
0x1ac: {  	v20 =	vmul.f32 v9, v20;
	v9 =	vld.idx.msk [tilespmem:v2+s13+$0x0], $0xffff;
	v11 =	vadd.f32 v11, v53  }
0x1ad: {  	[tilespmem:$0x1FCD0] =	vst v19;
	v2 =	vor.u32 v19, v1;
	v19 =	vmov v31;
	v31 =	vld.idx.msk [tilespmem:v61+s13+$0x0], $0xffff  }
0x1ae: {  	v17 =	vmul.f32 v17, v22;
	v53 =	vadd.f32 v20, v11;
	v11 =	vld.idx.msk [tilespmem:v57+s12+$0x0], $0xffff  }
0x1af: {  	v22 =	vor.u32 v63, v1;
	v20 =	vld.idx.msk [tilespmem:v57+s13+$0x0], $0xffff  }
0x1b0: {  	v57 =	vld.idx.msk [tilespmem:v61+s12+$0x0], $0xffff;
	v18 =	vmul.f32 v42, v59;
	v55 =	vadd.f32 v17, v53  }
0x1b1: {  	[tilespmem:$0x1FCF0] =	vst v37;
	v59 =	vor.u32 v37, v1;
	v37 =	vld [tilespmem:$0x1FFD0]  }
0x1b2: {  	[tilespmem:$0x1FCE0] =	vst v63;
	v63 =	vld.idx.msk [tilespmem:v2+s12+$0x0], $0xffff;
	v3 =	vmul.f32 v9, v3;
	v61 =	vadd.f32 v18, v55  }
0x1b3: {  	v9 =	vld.idx.msk [tilespmem:v2+s13+$0x0], $0xffff  }
0x1b4: {  	v2 =	vor.u32 v50, v1;
	v11 =	vmul.f32 v20, v11;
	v53 =	vadd.f32 v3, v61;
	v3 =	vld.idx.msk [tilespmem:v22+s12+$0x0], $0xffff  }
0x1b5: {  	v22 =	vld.idx.msk [tilespmem:v22+s13+$0x0], $0xffff  }
0x1b6: {  	v20 =	vld.idx.msk [tilespmem:v59+s12+$0x0], $0xffff;
	v17 =	vmul.f32 v31, v57;
	v49 =	vadd.f32 v11, v53  }
0x1b7: {  	v31 =	vld.idx.msk [tilespmem:v59+s13+$0x0], $0xffff  }
0x1b8: {  	v55 =	vor.u32 v37, v1;
	v18 =	vmul.f32 v9, v63;
	v59 =	vadd.f32 v17, v49  }
0x1b9: {  	[tilespmem:$0x1FD00] =	vst v60;
	v57 =	vor.u32 v60, v1;
	v60 =	vld.idx.msk [tilespmem:v2+s12+$0x0], $0xffff  }
0x1ba: {  	v61 =	vld.idx.msk [tilespmem:v2+s13+$0x0], $0xffff;
	v3 =	vmul.f32 v22, v3;
	v2 =	vadd.f32 v18, v59;
	_ =	sdelay $0x1  }
0x1bb: {  	v31 =	vmul.f32 v31, v20;
	v3 =	vadd.f32 v3, v2  }
0x1bc: {  	v9 =	vor.u32 v27, v1;
	v63 =	vld.idx.msk [tilespmem:v55+s12+$0x0], $0xffff  }
0x1bd: {  	v31 =	vadd.f32 v31, v3;
	v3 =	vld [tilespmem:$0x1FE60]  }
0x1be: {  	v47 =	vld.idx.msk [tilespmem:v55+s13+$0x0], $0xffff;
	v22 =	vor.u32 v26, v1  }
0x1bf: {  	v53 =	vld.idx.msk [tilespmem:v57+s12+$0x0], $0xffff  }
0x1c0: {  	v20 =	vld.idx.msk [tilespmem:v57+s13+$0x0], $0xffff;
	v2 =	vor.u32 v48, v1  }
0x1c1: {  	v55 =	vmul.f32 v61, v60;
	v57 =	vld.idx.msk [tilespmem:v9+s12+$0x0], $0xffff  }
0x1c2: {  	v9 =	vld.idx.msk [tilespmem:v9+s13+$0x0], $0xffff;
	v1 =	vor.u32 v3, v1  }
0x1c3: {  	v59 =	vmul.f32 v47, v63;
	v60 =	vld.idx.msk [tilespmem:v22+s13+$0x0], $0xffff;
	v31 =	vadd.f32 v55, v31  }
0x1c4: {  	v3 =	vld.idx.msk [tilespmem:v22+s12+$0x0], $0xffff  }
0x1c5: {  	v61 =	vmul.f32 v20, v53;
	v20 =	vld.idx.msk [tilespmem:v2+s12+$0x0], $0xffff;
	v31 =	vadd.f32 v59, v31  }
0x1c6: {  	v22 =	vld.idx.msk [tilespmem:v2+s13+$0x0], $0xffff  }
0x1c7: {  	v2 =	vmul.f32 v9, v57;
	v31 =	vadd.f32 v61, v31;
	v9 =	vld.idx.msk [tilespmem:v1+s12+$0x0], $0xffff  }
0x1c8: {  	v63 =	vld.idx.msk [tilespmem:v1+s13+$0x0], $0xffff  }
0x1c9: {  	v2 =	vadd.f32 v2, v31;
	v1 =	vmul.f32 v60, v3;
	_ =	sdelay $0x1  }
0x1ca: {  	v1 =	vadd.f32 v1, v2;
	v2 =	vmul.f32 v22, v20;
	_ =	sdelay $0x1  }
0x1cb: {  	v1 =	vadd.f32 v2, v1;
	v2 =	vmul.f32 v63, v9;
	_ =	sdelay $0x1  }
0x1cc: {  	v1 =	vadd.f32 v2, v1;
	_ =	sdelay $0x1  }
0x1cd: {  	v1 =	vsub.f32 $0.0e+00, v1;
	_ =	sdelay $0x1  }
0x1ce: {  	v1 =	vmul.f32 $1.442695020e+00, v1;
	_ =	sdelay $0x1  }
0x1cf: {  	(erf) = vpow2.f32 v1;
	_ =	sdelay $0x6  }
0x1d0: {  	v42 =	vmov v44;
	v44 =	vld [tilespmem:$0x1FF70]  }
0x1d1: {  	v47 =	vld [tilespmem:$0x1FF00]  }
0x1d2: {  	v55 =	vmov v24;
	v24 =	vmov v32;
	v32 =	vld [tilespmem:$0x1FEE0];
	v1 =	vpop (erf)  }
0x1d3: {  	v59 =	vmov v54;
	v54 =	vld [tilespmem:$0x1FEC0];
	v3 =	vadd.f32 $1.000000000e+00, v1  }
0x1d4: {  	s31 =	simm.s32 $0x20;
	v61 =	vld [tilespmem:$0x1FFF0]  }
0x1d5: {  	v11 =	vmov v36;
	v31 =	vld [tilespmem:$0x1FFC0];
	v2 =	vmov s31;
	(erf) = vrcp.f32 v3  }
0x1d6: {  	v36 =	vmovc v46;
	v46 =	vmovc v11;
	v22 =	vmov v14;
	v14 =	vmov v62;
	v62 =	vld [tilespmem:$0x1FF20];
	v1 =	vshll.u32 v2, $0x7  }
0x1d7: {  	v49 =	vmovc v16;
	v53 =	vmovc v7;
	v57 =	vmov v38;
	v38 =	vmov v0;
	v63 =	vld [tilespmem:$0x1FEB0];
	v1 =	vor.u32 v41, v1  }
0x1d8: {  	s20 =	simm.s32 $0x30;
	s19 =	smov.u32 s17;
	v0 =	vmovc v15;
	v60 =	vmovc v19;
	v41 =	vmov v26;
	v26 =	vmov v37;
	v37 =	vld [tilespmem:$0x1FF30];
	v2 =	vor.u32 v13, v1  }
.LBB2_3:
0x1d9: {  	_ =	sdelay $0x3  }
0x1da: {  	v3 =	vor.u32 v4, v1  }
0x1db: {  	v15 =	vmov v4;
	s19 =	sadd.s32 $0x10, s19;
	v4 =	vpop (erf)  }
0x1dc: {  	v16 =	vmov v5;
	v5 =	vor.u32 v5, v1;
	[tilespmem:s19+$0x0] =	vst v4  }
0x1dd: {  	v4 =	vld.idx.msk [tilespmem:v2+s13+$0x0], $0xffff  }
0x1de: {  	v17 =	vmov v6;
	v6 =	vor.u32 v6, v1;
	v2 =	vld.idx.msk [tilespmem:v2+s12+$0x0], $0xffff  }
0x1df: {  	v7 =	vld.idx.msk [tilespmem:v3+s12+$0x0], $0xffff  }
0x1e0: {  	v18 =	vmov v8;
	v8 =	vor.u32 v8, v1;
	v3 =	vld.idx.msk [tilespmem:v3+s13+$0x0], $0xffff  }
0x1e1: {  	v9 =	vld.idx.msk [tilespmem:v5+s12+$0x0], $0xffff  }
0x1e2: {  	v19 =	vmov v10;
	v10 =	vor.u32 v10, v1;
	v5 =	vld.idx.msk [tilespmem:v5+s13+$0x0], $0xffff  }
0x1e3: {  	v11 =	vld.idx.msk [tilespmem:v6+s12+$0x0], $0xffff  }
0x1e4: {  	v20 =	vmov v12;
	v12 =	vor.u32 v12, v1;
	v6 =	vld.idx.msk [tilespmem:v6+s13+$0x0], $0xffff  }
0x1e5: {  	v13 =	vld.idx.msk [tilespmem:v8+s12+$0x0], $0xffff  }
0x1e6: {  	v2 =	vmul.f32 v4, v2;
	v3 =	vmul.f32 v3, v7;
	v4 =	vld.idx.msk [tilespmem:v8+s13+$0x0], $0xffff;
	v7 =	vor.u32 v46, v1  }
0x1e7: {  	v8 =	vld.idx.msk [tilespmem:v10+s12+$0x0], $0xffff  }
0x1e8: {  	v2 =	vadd.f32 v3, v2;
	v3 =	vmul.f32 v5, v9;
	v5 =	vld.idx.msk [tilespmem:v10+s13+$0x0], $0xffff;
	v9 =	vor.u32 v61, v1  }
0x1e9: {  	v10 =	vld.idx.msk [tilespmem:v12+s12+$0x0], $0xffff  }
0x1ea: {  	v2 =	vadd.f32 v3, v2;
	v3 =	vmul.f32 v6, v11;
	v6 =	vld.idx.msk [tilespmem:v12+s13+$0x0], $0xffff;
	v11 =	vor.u32 v53, v1  }
0x1eb: {  	v12 =	vld.idx.msk [tilespmem:v7+s12+$0x0], $0xffff  }
0x1ec: {  	v2 =	vadd.f32 v3, v2;
	v3 =	vmul.f32 v4, v13;
	v4 =	vld.idx.msk [tilespmem:v7+s13+$0x0], $0xffff;
	v7 =	vor.u32 v0, v1  }
0x1ed: {  	v13 =	vld.idx.msk [tilespmem:v9+s12+$0x0], $0xffff  }
0x1ee: {  	v2 =	vadd.f32 v3, v2;
	v3 =	vmul.f32 v5, v8;
	v5 =	vld.idx.msk [tilespmem:v9+s13+$0x0], $0xffff;
	v8 =	vor.u32 v63, v1  }
0x1ef: {  	v9 =	vld.idx.msk [tilespmem:v11+s12+$0x0], $0xffff  }
0x1f0: {  	v2 =	vadd.f32 v3, v2;
	v3 =	vmul.f32 v6, v10;
	v6 =	vld.idx.msk [tilespmem:v11+s13+$0x0], $0xffff;
	v10 =	vor.u32 v54, v1  }
0x1f1: {  	v11 =	vld.idx.msk [tilespmem:v7+s12+$0x0], $0xffff  }
0x1f2: {  	v2 =	vadd.f32 v3, v2;
	v3 =	vmul.f32 v4, v12;
	v4 =	vld.idx.msk [tilespmem:v7+s13+$0x0], $0xffff;
	v7 =	vor.u32 v32, v1  }
0x1f3: {  	v12 =	vld.idx.msk [tilespmem:v8+s12+$0x0], $0xffff  }
0x1f4: {  	v2 =	vadd.f32 v3, v2;
	v3 =	vmul.f32 v5, v13;
	v5 =	vld.idx.msk [tilespmem:v8+s13+$0x0], $0xffff;
	v8 =	vor.u32 v47, v1  }
0x1f5: {  	v13 =	vld.idx.msk [tilespmem:v10+s12+$0x0], $0xffff  }
0x1f6: {  	v2 =	vadd.f32 v3, v2;
	v3 =	vmul.f32 v6, v9;
	v6 =	vld.idx.msk [tilespmem:v10+s13+$0x0], $0xffff;
	v9 =	vor.u32 v62, v1  }
0x1f7: {  	v10 =	vld.idx.msk [tilespmem:v7+s12+$0x0], $0xffff  }
0x1f8: {  	v2 =	vadd.f32 v3, v2;
	v3 =	vmul.f32 v4, v11;
	v4 =	vld.idx.msk [tilespmem:v7+s13+$0x0], $0xffff;
	v7 =	vor.u32 v37, v1  }
0x1f9: {  	v11 =	vld.idx.msk [tilespmem:v8+s12+$0x0], $0xffff  }
0x1fa: {  	v2 =	vadd.f32 v3, v2;
	v3 =	vmul.f32 v5, v12;
	v5 =	vld.idx.msk [tilespmem:v8+s13+$0x0], $0xffff;
	v8 =	vor.u32 v36, v1  }
0x1fb: {  	v12 =	vld.idx.msk [tilespmem:v9+s12+$0x0], $0xffff  }
0x1fc: {  	v2 =	vadd.f32 v3, v2;
	v3 =	vmul.f32 v6, v13;
	v6 =	vld.idx.msk [tilespmem:v9+s13+$0x0], $0xffff;
	v9 =	vor.u32 v31, v1  }
0x1fd: {  	v13 =	vld.idx.msk [tilespmem:v7+s12+$0x0], $0xffff  }
0x1fe: {  	v2 =	vadd.f32 v3, v2;
	v3 =	vmul.f32 v4, v10;
	v4 =	vld.idx.msk [tilespmem:v7+s13+$0x0], $0xffff;
	v7 =	vor.u32 v59, v1  }
0x1ff: {  	v10 =	vld.idx.msk [tilespmem:v8+s12+$0x0], $0xffff  }
0x200: {  	v2 =	vadd.f32 v3, v2;
	v3 =	vmul.f32 v5, v11;
	v5 =	vld.idx.msk [tilespmem:v8+s13+$0x0], $0xffff;
	v8 =	vor.u32 v38, v1  }
0x201: {  	v11 =	vld.idx.msk [tilespmem:v9+s12+$0x0], $0xffff  }
0x202: {  	v2 =	vadd.f32 v3, v2;
	v3 =	vmul.f32 v6, v12;
	v6 =	vld.idx.msk [tilespmem:v9+s13+$0x0], $0xffff;
	v9 =	vor.u32 v24, v1  }
0x203: {  	v12 =	vld.idx.msk [tilespmem:v7+s12+$0x0], $0xffff  }
0x204: {  	v2 =	vadd.f32 v3, v2;
	v3 =	vmul.f32 v4, v13;
	v4 =	vld.idx.msk [tilespmem:v7+s13+$0x0], $0xffff;
	v7 =	vor.u32 v49, v1  }
0x205: {  	v13 =	vld.idx.msk [tilespmem:v8+s12+$0x0], $0xffff  }
0x206: {  	v2 =	vadd.f32 v3, v2;
	v3 =	vmul.f32 v5, v10;
	v5 =	vld.idx.msk [tilespmem:v8+s13+$0x0], $0xffff;
	v8 =	vor.u32 v14, v1  }
0x207: {  	v10 =	vld.idx.msk [tilespmem:v9+s12+$0x0], $0xffff  }
0x208: {  	v2 =	vadd.f32 v3, v2;
	v3 =	vmul.f32 v6, v11;
	v6 =	vld.idx.msk [tilespmem:v9+s13+$0x0], $0xffff;
	v9 =	vor.u32 v58, v1  }
0x209: {  	v11 =	vld.idx.msk [tilespmem:v7+s12+$0x0], $0xffff  }
0x20a: {  	v2 =	vadd.f32 v3, v2;
	v3 =	vmul.f32 v4, v12;
	v4 =	vld.idx.msk [tilespmem:v7+s13+$0x0], $0xffff;
	v7 =	vor.u32 v43, v1  }
0x20b: {  	v12 =	vld.idx.msk [tilespmem:v8+s12+$0x0], $0xffff  }
0x20c: {  	v2 =	vadd.f32 v3, v2;
	v3 =	vmul.f32 v5, v13;
	v5 =	vld.idx.msk [tilespmem:v8+s13+$0x0], $0xffff;
	v8 =	vor.u32 v44, v1  }
0x20d: {  	v13 =	vld.idx.msk [tilespmem:v9+s12+$0x0], $0xffff  }
0x20e: {  	v2 =	vadd.f32 v3, v2;
	v3 =	vmul.f32 v6, v10;
	v6 =	vld.idx.msk [tilespmem:v9+s13+$0x0], $0xffff;
	v9 =	vor.u32 v21, v1  }
0x20f: {  	v10 =	vld.idx.msk [tilespmem:v7+s12+$0x0], $0xffff  }
0x210: {  	v2 =	vadd.f32 v3, v2;
	v3 =	vmul.f32 v4, v11;
	v4 =	vld.idx.msk [tilespmem:v7+s13+$0x0], $0xffff;
	v7 =	vor.u32 v23, v1  }
0x211: {  	v11 =	vld.idx.msk [tilespmem:v8+s12+$0x0], $0xffff  }
0x212: {  	v2 =	vadd.f32 v3, v2;
	v3 =	vmul.f32 v5, v12;
	v5 =	vld.idx.msk [tilespmem:v8+s13+$0x0], $0xffff;
	v8 =	vor.u32 v35, v1  }
0x213: {  	v12 =	vld.idx.msk [tilespmem:v9+s12+$0x0], $0xffff  }
0x214: {  	v2 =	vadd.f32 v3, v2;
	v3 =	vmul.f32 v6, v13;
	v6 =	vld.idx.msk [tilespmem:v9+s13+$0x0], $0xffff;
	v9 =	vor.u32 v34, v1  }
0x215: {  	v13 =	vld.idx.msk [tilespmem:v7+s12+$0x0], $0xffff  }
0x216: {  	v2 =	vadd.f32 v3, v2;
	v3 =	vmul.f32 v4, v10;
	v4 =	vld.idx.msk [tilespmem:v7+s13+$0x0], $0xffff;
	v7 =	vor.u32 v55, v1  }
0x217: {  	v10 =	vld.idx.msk [tilespmem:v8+s12+$0x0], $0xffff  }
0x218: {  	v2 =	vadd.f32 v3, v2;
	v3 =	vmul.f32 v5, v11;
	v5 =	vld.idx.msk [tilespmem:v8+s13+$0x0], $0xffff;
	v8 =	vor.u32 v56, v1  }
0x219: {  	v11 =	vld.idx.msk [tilespmem:v9+s12+$0x0], $0xffff  }
0x21a: {  	v2 =	vadd.f32 v3, v2;
	v3 =	vmul.f32 v6, v12;
	v6 =	vld.idx.msk [tilespmem:v9+s13+$0x0], $0xffff;
	v9 =	vor.u32 v28, v1  }
0x21b: {  	v12 =	vld.idx.msk [tilespmem:v7+s12+$0x0], $0xffff  }
0x21c: {  	v2 =	vadd.f32 v3, v2;
	v3 =	vmul.f32 v4, v13;
	v4 =	vld.idx.msk [tilespmem:v7+s13+$0x0], $0xffff;
	v7 =	vor.u32 v40, v1  }
0x21d: {  	v13 =	vld.idx.msk [tilespmem:v8+s12+$0x0], $0xffff  }
0x21e: {  	v2 =	vadd.f32 v3, v2;
	v3 =	vmul.f32 v5, v10;
	v5 =	vld.idx.msk [tilespmem:v8+s13+$0x0], $0xffff;
	v8 =	vor.u32 v30, v1  }
0x21f: {  	v10 =	vld.idx.msk [tilespmem:v9+s12+$0x0], $0xffff  }
0x220: {  	v2 =	vadd.f32 v3, v2;
	v3 =	vmul.f32 v6, v11;
	v6 =	vld.idx.msk [tilespmem:v9+s13+$0x0], $0xffff;
	v9 =	vor.u32 v42, v1  }
0x221: {  	v11 =	vld.idx.msk [tilespmem:v7+s12+$0x0], $0xffff  }
0x222: {  	v2 =	vadd.f32 v3, v2;
	v3 =	vmul.f32 v4, v12;
	v4 =	vld.idx.msk [tilespmem:v7+s13+$0x0], $0xffff;
	v7 =	vor.u32 v22, v1  }
0x223: {  	v12 =	vld.idx.msk [tilespmem:v8+s12+$0x0], $0xffff  }
0x224: {  	v2 =	vadd.f32 v3, v2;
	v3 =	vmul.f32 v5, v13;
	v5 =	vld.idx.msk [tilespmem:v8+s13+$0x0], $0xffff;
	v8 =	vor.u32 v60, v1  }
0x225: {  	v13 =	vld.idx.msk [tilespmem:v9+s12+$0x0], $0xffff  }
0x226: {  	v2 =	vadd.f32 v3, v2;
	v3 =	vmul.f32 v6, v10;
	v6 =	vld.idx.msk [tilespmem:v9+s13+$0x0], $0xffff;
	v9 =	vor.u32 v57, v1  }
0x227: {  	v10 =	vld.idx.msk [tilespmem:v7+s12+$0x0], $0xffff  }
0x228: {  	v2 =	vadd.f32 v3, v2;
	v3 =	vmul.f32 v4, v11;
	v4 =	vld.idx.msk [tilespmem:v7+s13+$0x0], $0xffff;
	v7 =	vor.u32 v33, v1  }
0x229: {  	v11 =	vld.idx.msk [tilespmem:v8+s12+$0x0], $0xffff  }
0x22a: {  	v2 =	vadd.f32 v3, v2;
	v3 =	vmul.f32 v5, v12;
	v5 =	vld.idx.msk [tilespmem:v8+s13+$0x0], $0xffff;
	v8 =	vor.u32 v25, v1  }
0x22b: {  	v12 =	vld.idx.msk [tilespmem:v9+s12+$0x0], $0xffff  }
0x22c: {  	v2 =	vadd.f32 v3, v2;
	v3 =	vmul.f32 v6, v13;
	v6 =	vld.idx.msk [tilespmem:v9+s13+$0x0], $0xffff  }
0x22d: {  	v9 =	vor.u32 v39, v1;
	v13 =	vld.idx.msk [tilespmem:v7+s12+$0x0], $0xffff  }
0x22e: {  	v2 =	vadd.f32 v3, v2;
	v3 =	vmul.f32 v4, v10;
	v4 =	vld.idx.msk [tilespmem:v7+s13+$0x0], $0xffff  }
0x22f: {  	v10 =	vld.idx.msk [tilespmem:v8+s12+$0x0], $0xffff  }
0x230: {  	v7 =	vor.u32 v29, v1;
	v2 =	vadd.f32 v3, v2;
	v3 =	vmul.f32 v5, v11;
	v5 =	vld.idx.msk [tilespmem:v8+s13+$0x0], $0xffff  }
0x231: {  	v8 =	vld [tilespmem:$0x1FE40]  }
0x232: {  	v11 =	vld.idx.msk [tilespmem:v9+s12+$0x0], $0xffff  }
0x233: {  	v2 =	vadd.f32 v3, v2;
	v3 =	vmul.f32 v6, v12;
	v6 =	vld.idx.msk [tilespmem:v9+s13+$0x0], $0xffff  }
0x234: {  	v9 =	vld [tilespmem:$0x1FE30]  }
0x235: {  	v12 =	vld.idx.msk [tilespmem:v7+s12+$0x0], $0xffff  }
0x236: {  	v2 =	vadd.f32 v3, v2;
	v3 =	vmul.f32 v4, v13;
	v4 =	vld.idx.msk [tilespmem:v7+s13+$0x0], $0xffff;
	v8 =	vor.u32 v8, v1  }
0x237: {  	v7 =	vld [tilespmem:$0x1FE00];
	_ =	sdelay $0x1  }
0x238: {  	v9 =	vor.u32 v9, v1;
	_ =	sdelay $0x1  }
0x239: {  	v13 =	vld.idx.msk [tilespmem:v8+s12+$0x0], $0xffff  }
0x23a: {  	v2 =	vadd.f32 v3, v2;
	v3 =	vmul.f32 v5, v10;
	v7 =	vor.u32 v7, v1;
	v5 =	vld.idx.msk [tilespmem:v8+s13+$0x0], $0xffff  }
0x23b: {  	v8 =	vld [tilespmem:$0x1FE10]  }
0x23c: {  	v10 =	vld.idx.msk [tilespmem:v9+s12+$0x0], $0xffff  }
0x23d: {  	v2 =	vadd.f32 v3, v2;
	v3 =	vmul.f32 v6, v11;
	v6 =	vld.idx.msk [tilespmem:v9+s13+$0x0], $0xffff  }
0x23e: {  	v9 =	vld [tilespmem:$0x1FE20]  }
0x23f: {  	v11 =	vld.idx.msk [tilespmem:v7+s12+$0x0], $0xffff  }
0x240: {  	v2 =	vadd.f32 v3, v2;
	v3 =	vmul.f32 v4, v12;
	v4 =	vld.idx.msk [tilespmem:v7+s13+$0x0], $0xffff;
	v7 =	vor.u32 v52, v1  }
0x241: {  	v8 =	vor.u32 v8, v1;
	_ =	sdelay $0x1  }
0x242: {  	v2 =	vadd.f32 v3, v2;
	v3 =	vmul.f32 v5, v13  }
0x243: {  	v9 =	vor.u32 v9, v1  }
0x244: {  	v2 =	vadd.f32 v3, v2;
	v3 =	vmul.f32 v6, v10;
	v10 =	vld.idx.msk [tilespmem:v7+s12+$0x0], $0xffff  }
0x245: {  	v12 =	vld.idx.msk [tilespmem:v8+s12+$0x0], $0xffff  }
0x246: {  	v5 =	vld.idx.msk [tilespmem:v8+s13+$0x0], $0xffff;
	v8 =	vor.u32 v51, v1  }
0x247: {  	v2 =	vadd.f32 v3, v2;
	v3 =	vmul.f32 v4, v11;
	v4 =	vld.idx.msk [tilespmem:v7+s13+$0x0], $0xffff  }
0x248: {  	v13 =	vld.idx.msk [tilespmem:v9+s12+$0x0], $0xffff  }
0x249: {  	v6 =	vld.idx.msk [tilespmem:v9+s13+$0x0], $0xffff  }
0x24a: {  	v9 =	vld [tilespmem:$0x1FCB0]  }
0x24b: {  	v11 =	vld.idx.msk [tilespmem:v8+s12+$0x0], $0xffff  }
0x24c: {  	v7 =	vor.u32 v45, v1;
	v2 =	vadd.f32 v3, v2;
	v3 =	vmul.f32 v5, v12;
	v5 =	vld.idx.msk [tilespmem:v8+s13+$0x0], $0xffff  }
0x24d: {  	v8 =	vld [tilespmem:$0x1FCC0];
	_ =	sdelay $0x1  }
0x24e: {  	v9 =	vor.u32 v9, v1  }
0x24f: {  	v2 =	vadd.f32 v3, v2;
	v3 =	vmul.f32 v6, v13  }
0x250: {  	v13 =	vld.idx.msk [tilespmem:v7+s12+$0x0], $0xffff  }
0x251: {  	v2 =	vadd.f32 v3, v2;
	v3 =	vmul.f32 v4, v10;
	v4 =	vld.idx.msk [tilespmem:v7+s13+$0x0], $0xffff;
	v8 =	vor.u32 v8, v1  }
0x252: {  	v7 =	vld [tilespmem:$0x1FCE0]  }
0x253: {  	v12 =	vld.idx.msk [tilespmem:v9+s12+$0x0], $0xffff  }
0x254: {  	v6 =	vld.idx.msk [tilespmem:v9+s13+$0x0], $0xffff  }
0x255: {  	v9 =	vld [tilespmem:$0x1FCD0]  }
0x256: {  	v10 =	vld.idx.msk [tilespmem:v8+s12+$0x0], $0xffff  }
0x257: {  	v2 =	vadd.f32 v3, v2;
	v3 =	vmul.f32 v5, v11;
	v5 =	vld.idx.msk [tilespmem:v8+s13+$0x0], $0xffff  }
0x258: {  	v8 =	vld [tilespmem:$0x1FCF0]  }
0x259: {  	v7 =	vor.u32 v7, v1  }
0x25a: {  	v9 =	vor.u32 v9, v1;
	_ =	sdelay $0x2  }
0x25b: {  	v8 =	vor.u32 v8, v1  }
0x25c: {  	v2 =	vadd.f32 v3, v2;
	v3 =	vmul.f32 v6, v12;
	v12 =	vld.idx.msk [tilespmem:v7+s12+$0x0], $0xffff  }
0x25d: {  	v11 =	vld.idx.msk [tilespmem:v9+s12+$0x0], $0xffff  }
0x25e: {  	v6 =	vld.idx.msk [tilespmem:v9+s13+$0x0], $0xffff;
	v9 =	vor.u32 v50, v1  }
0x25f: {  	v2 =	vadd.f32 v3, v2;
	v3 =	vmul.f32 v4, v13;
	v4 =	vld.idx.msk [tilespmem:v7+s13+$0x0], $0xffff  }
0x260: {  	v13 =	vld.idx.msk [tilespmem:v8+s12+$0x0], $0xffff  }
0x261: {  	v2 =	vadd.f32 v3, v2;
	v3 =	vmul.f32 v5, v10;
	v5 =	vld.idx.msk [tilespmem:v8+s13+$0x0], $0xffff  }
0x262: {  	v8 =	vld [tilespmem:$0x1FD00]  }
0x263: {  	v7 =	vor.u32 v26, v1;
	v10 =	vld.idx.msk [tilespmem:v9+s12+$0x0], $0xffff  }
0x264: {  	v2 =	vadd.f32 v3, v2;
	v3 =	vmul.f32 v6, v11;
	v6 =	vld.idx.msk [tilespmem:v9+s13+$0x0], $0xffff;
	v9 =	vor.u32 v27, v1;
	_ =	sdelay $0x1  }
0x265: {  	v2 =	vadd.f32 v3, v2;
	v3 =	vmul.f32 v4, v12;
	_ =	sdelay $0x1  }
0x266: {  	v11 =	vld.idx.msk [tilespmem:v7+s12+$0x0], $0xffff;
	v8 =	vor.u32 v8, v1;
	v2 =	vadd.f32 v3, v2;
	v3 =	vmul.f32 v5, v13  }
0x267: {  	v13 =	vld.idx.msk [tilespmem:v9+s12+$0x0], $0xffff  }
0x268: {  	v2 =	vadd.f32 v3, v2;
	v3 =	vmul.f32 v6, v10;
	v6 =	vld.idx.msk [tilespmem:v9+s13+$0x0], $0xffff  }
0x269: {  	v9 =	vld [tilespmem:$0x1FE60]  }
0x26a: {  	v4 =	vld.idx.msk [tilespmem:v7+s13+$0x0], $0xffff;
	v7 =	vor.u32 v41, v1  }
0x26b: {  	v12 =	vld.idx.msk [tilespmem:v8+s12+$0x0], $0xffff  }
0x26c: {  	v5 =	vld.idx.msk [tilespmem:v8+s13+$0x0], $0xffff;
	v8 =	vor.u32 v48, v1;
	_ =	sdelay $0x1  }
0x26d: {  	v1 =	vor.u32 v9, v1  }
0x26e: {  	v2 =	vadd.f32 v3, v2;
	v3 =	vmul.f32 v4, v11;
	v4 =	vld.idx.msk [tilespmem:v7+s13+$0x0], $0xffff  }
0x26f: {  	v9 =	vld.idx.msk [tilespmem:v7+s12+$0x0], $0xffff  }
0x270: {  	v2 =	vadd.f32 v3, v2;
	v7 =	vld.idx.msk [tilespmem:v8+s12+$0x0], $0xffff;
	v3 =	vmul.f32 v5, v12  }
0x271: {  	v5 =	vld.idx.msk [tilespmem:v8+s13+$0x0], $0xffff  }
0x272: {  	v2 =	vadd.f32 v3, v2;
	v3 =	vmul.f32 v6, v13;
	v8 =	vld.idx.msk [tilespmem:v1+s12+$0x0], $0xffff  }
0x273: {  	v1 =	vld.idx.msk [tilespmem:v1+s13+$0x0], $0xffff  }
0x274: {  	v2 =	vadd.f32 v3, v2;
	v3 =	vmul.f32 v4, v9;
	_ =	sdelay $0x1  }
0x275: {  	v2 =	vadd.f32 v3, v2;
	v3 =	vmul.f32 v5, v7;
	_ =	sdelay $0x1  }
0x276: {  	v2 =	vadd.f32 v3, v2;
	v1 =	vmul.f32 v1, v8;
	_ =	sdelay $0x1  }
0x277: {  	v1 =	vadd.f32 v1, v2;
	_ =	sdelay $0x1  }
0x278: {  	v1 =	vsub.f32 $0.0e+00, v1;
	_ =	sdelay $0x1  }
0x279: {  	v1 =	vmul.f32 $1.442695020e+00, v1;
	_ =	sdelay $0x1  }
0x27a: {  	(erf) = vpow2.f32 v1;
	_ =	sdelay $0x8  }
0x27b: {  	v2 =	vld [tilespmem:$0x1FE50];
	v1 =	vpop (erf)  }
0x27c: {  	p0 =	sne.s32 s20, $0x70;
	v1 =	vadd.f32 $1.000000000e+00, v1  }
.Ltmp0:
0x27d: {  	_ = 	snop;
	(pc) =	sbr.rel @p0 .LBB2_3-.Ltmp0, $4  }
0x27e: {  	(erf) = vrcp.f32 v1;
	v1 =	vmov s20  }
0x27f: {  	v1 =	vshll.u32 v1, $0x7  }
0x280: {  	v10 =	vmovc v19;
	v12 =	vmov v20;
	v13 =	vlaneseq.u32;
	v1 =	vor.u32 v2, v1  }
0x281: {  	v6 =	vmovc v17;
	v4 =	vmovc v15;
	v5 =	vmov v16;
	v8 =	vmov v18;
	s20 =	sadd.s32 $0x10, s20;
	v2 =	vor.u32 v13, v1  }
0x282: {  	_ =	sdelay $0x3  }
0x283: {  	v3 =	vor.u32 v4, v1  }
0x284: {  	s19 =	sadd.s32 $0x10, s19;
	v4 =	vpop (erf)  }
0x285: {  	v5 =	vor.u32 v16, v1;
	[tilespmem:s19+$0x0] =	vst v4  }
0x286: {  	v4 =	vld.idx.msk [tilespmem:v2+s13+$0x0], $0xffff  }
0x287: {  	v6 =	vor.u32 v17, v1;
	v2 =	vld.idx.msk [tilespmem:v2+s12+$0x0], $0xffff  }
0x288: {  	v7 =	vld.idx.msk [tilespmem:v3+s12+$0x0], $0xffff  }
0x289: {  	v8 =	vor.u32 v18, v1;
	v3 =	vld.idx.msk [tilespmem:v3+s13+$0x0], $0xffff  }
0x28a: {  	v9 =	vld.idx.msk [tilespmem:v5+s12+$0x0], $0xffff  }
0x28b: {  	v10 =	vor.u32 v19, v1;
	v5 =	vld.idx.msk [tilespmem:v5+s13+$0x0], $0xffff  }
0x28c: {  	v11 =	vld.idx.msk [tilespmem:v6+s12+$0x0], $0xffff  }
0x28d: {  	v12 =	vor.u32 v20, v1;
	v6 =	vld.idx.msk [tilespmem:v6+s13+$0x0], $0xffff  }
0x28e: {  	v2 =	vmul.f32 v4, v2;
	v4 =	vld.idx.msk [tilespmem:v8+s12+$0x0], $0xffff  }
0x28f: {  	v3 =	vmul.f32 v3, v7;
	v7 =	vld.idx.msk [tilespmem:v8+s13+$0x0], $0xffff;
	v8 =	vor.u32 v46, v1  }
0x290: {  	v5 =	vmul.f32 v5, v9;
	v9 =	vld.idx.msk [tilespmem:v10+s13+$0x0], $0xffff  }
0x291: {  	v2 =	vadd.f32 v3, v2;
	v3 =	vld.idx.msk [tilespmem:v10+s12+$0x0], $0xffff;
	v10 =	vor.u32 v61, v1  }
0x292: {  	v6 =	vmul.f32 v6, v11;
	v11 =	vld.idx.msk [tilespmem:v12+s13+$0x0], $0xffff  }
0x293: {  	v2 =	vadd.f32 v5, v2;
	v5 =	vld.idx.msk [tilespmem:v12+s12+$0x0], $0xffff;
	v12 =	vor.u32 v53, v1  }
0x294: {  	v4 =	vmul.f32 v7, v4;
	v7 =	vld.idx.msk [tilespmem:v8+s13+$0x0], $0xffff  }
0x295: {  	v2 =	vadd.f32 v6, v2;
	v6 =	vld.idx.msk [tilespmem:v8+s12+$0x0], $0xffff;
	v8 =	vor.u32 v0, v1  }
0x296: {  	v3 =	vmul.f32 v9, v3;
	v9 =	vld.idx.msk [tilespmem:v10+s13+$0x0], $0xffff  }
0x297: {  	v2 =	vadd.f32 v4, v2;
	v4 =	vld.idx.msk [tilespmem:v10+s12+$0x0], $0xffff;
	v10 =	vor.u32 v63, v1  }
0x298: {  	v5 =	vmul.f32 v11, v5;
	v11 =	vld.idx.msk [tilespmem:v12+s13+$0x0], $0xffff  }
0x299: {  	v2 =	vadd.f32 v3, v2;
	v3 =	vld.idx.msk [tilespmem:v12+s12+$0x0], $0xffff;
	v12 =	vor.u32 v54, v1  }
0x29a: {  	v6 =	vmul.f32 v7, v6;
	v7 =	vld.idx.msk [tilespmem:v8+s13+$0x0], $0xffff  }
0x29b: {  	v2 =	vadd.f32 v5, v2;
	v5 =	vld.idx.msk [tilespmem:v8+s12+$0x0], $0xffff;
	v8 =	vor.u32 v32, v1  }
0x29c: {  	v4 =	vmul.f32 v9, v4;
	v9 =	vld.idx.msk [tilespmem:v10+s13+$0x0], $0xffff  }
0x29d: {  	v2 =	vadd.f32 v6, v2;
	v6 =	vld.idx.msk [tilespmem:v10+s12+$0x0], $0xffff  }
0x29e: {  	v10 =	vor.u32 v47, v1;
	v3 =	vmul.f32 v11, v3;
	v11 =	vld.idx.msk [tilespmem:v12+s13+$0x0], $0xffff  }
0x29f: {  	v2 =	vadd.f32 v4, v2;
	v4 =	vld.idx.msk [tilespmem:v12+s12+$0x0], $0xffff  }
0x2a0: {  	v12 =	vor.u32 v62, v1;
	v5 =	vmul.f32 v7, v5;
	v7 =	vld.idx.msk [tilespmem:v8+s13+$0x0], $0xffff  }
0x2a1: {  	v2 =	vadd.f32 v3, v2;
	v3 =	vld.idx.msk [tilespmem:v8+s12+$0x0], $0xffff  }
0x2a2: {  	v54 =	vmovc v47;
	v47 =	vmov v62;
	v62 =	vmov v37;
	v8 =	vor.u32 v37, v1;
	v37 =	vld [tilespmem:$0x1FE40]  }
0x2a3: {  	v6 =	vmul.f32 v9, v6;
	v9 =	vld.idx.msk [tilespmem:v10+s13+$0x0], $0xffff  }
0x2a4: {  	v2 =	vadd.f32 v5, v2;
	v5 =	vld.idx.msk [tilespmem:v10+s12+$0x0], $0xffff;
	v10 =	vor.u32 v36, v1  }
0x2a5: {  	v4 =	vmul.f32 v11, v4;
	v11 =	vld.idx.msk [tilespmem:v12+s13+$0x0], $0xffff  }
0x2a6: {  	v2 =	vadd.f32 v6, v2;
	v6 =	vld.idx.msk [tilespmem:v12+s12+$0x0], $0xffff;
	v12 =	vor.u32 v31, v1  }
0x2a7: {  	v3 =	vmul.f32 v7, v3;
	v7 =	vld.idx.msk [tilespmem:v8+s13+$0x0], $0xffff  }
0x2a8: {  	v2 =	vadd.f32 v4, v2;
	v4 =	vld.idx.msk [tilespmem:v8+s12+$0x0], $0xffff;
	v8 =	vor.u32 v59, v1  }
0x2a9: {  	v5 =	vmul.f32 v9, v5;
	v9 =	vld.idx.msk [tilespmem:v10+s13+$0x0], $0xffff  }
0x2aa: {  	v2 =	vadd.f32 v3, v2;
	v3 =	vld.idx.msk [tilespmem:v10+s12+$0x0], $0xffff;
	v10 =	vor.u32 v38, v1  }
0x2ab: {  	v6 =	vmul.f32 v11, v6;
	v11 =	vld.idx.msk [tilespmem:v12+s13+$0x0], $0xffff  }
0x2ac: {  	v2 =	vadd.f32 v5, v2;
	v5 =	vld.idx.msk [tilespmem:v12+s12+$0x0], $0xffff  }
0x2ad: {  	v12 =	vor.u32 v24, v1;
	v4 =	vmul.f32 v7, v4;
	v7 =	vld.idx.msk [tilespmem:v8+s13+$0x0], $0xffff  }
0x2ae: {  	v2 =	vadd.f32 v6, v2;
	v6 =	vld.idx.msk [tilespmem:v8+s12+$0x0], $0xffff  }
0x2af: {  	v8 =	vor.u32 v49, v1;
	v3 =	vmul.f32 v9, v3;
	v9 =	vld.idx.msk [tilespmem:v10+s13+$0x0], $0xffff  }
0x2b0: {  	v2 =	vadd.f32 v4, v2;
	v4 =	vld.idx.msk [tilespmem:v10+s12+$0x0], $0xffff  }
0x2b1: {  	v63 =	vmovc v31;
	v31 =	vmov v24;
	v24 =	vmov v14;
	v10 =	vor.u32 v14, v1;
	v14 =	vld [tilespmem:$0x1FE30]  }
0x2b2: {  	v5 =	vmul.f32 v11, v5;
	v11 =	vld.idx.msk [tilespmem:v12+s13+$0x0], $0xffff  }
0x2b3: {  	v2 =	vadd.f32 v3, v2;
	v3 =	vld.idx.msk [tilespmem:v12+s12+$0x0], $0xffff;
	v12 =	vor.u32 v58, v1  }
0x2b4: {  	v6 =	vmul.f32 v7, v6;
	v7 =	vld.idx.msk [tilespmem:v8+s13+$0x0], $0xffff  }
0x2b5: {  	v2 =	vadd.f32 v5, v2;
	v5 =	vld.idx.msk [tilespmem:v8+s12+$0x0], $0xffff;
	v8 =	vor.u32 v43, v1  }
0x2b6: {  	v4 =	vmul.f32 v9, v4;
	v9 =	vld.idx.msk [tilespmem:v10+s13+$0x0], $0xffff  }
0x2b7: {  	v2 =	vadd.f32 v6, v2;
	v6 =	vld.idx.msk [tilespmem:v10+s12+$0x0], $0xffff;
	v10 =	vor.u32 v44, v1  }
0x2b8: {  	v3 =	vmul.f32 v11, v3;
	v11 =	vld.idx.msk [tilespmem:v12+s13+$0x0], $0xffff  }
0x2b9: {  	v2 =	vadd.f32 v4, v2;
	v4 =	vld.idx.msk [tilespmem:v12+s12+$0x0], $0xffff;
	v12 =	vor.u32 v21, v1  }
0x2ba: {  	v5 =	vmul.f32 v7, v5;
	v7 =	vld.idx.msk [tilespmem:v8+s13+$0x0], $0xffff  }
0x2bb: {  	v2 =	vadd.f32 v3, v2;
	v3 =	vld.idx.msk [tilespmem:v8+s12+$0x0], $0xffff;
	v8 =	vor.u32 v23, v1  }
0x2bc: {  	v6 =	vmul.f32 v9, v6;
	v9 =	vld.idx.msk [tilespmem:v10+s13+$0x0], $0xffff  }
0x2bd: {  	v2 =	vadd.f32 v5, v2;
	v5 =	vld.idx.msk [tilespmem:v10+s12+$0x0], $0xffff;
	v10 =	vor.u32 v35, v1  }
0x2be: {  	v4 =	vmul.f32 v11, v4;
	v11 =	vld.idx.msk [tilespmem:v12+s13+$0x0], $0xffff  }
0x2bf: {  	v2 =	vadd.f32 v6, v2;
	v6 =	vld.idx.msk [tilespmem:v12+s12+$0x0], $0xffff;
	v12 =	vor.u32 v34, v1  }
0x2c0: {  	v3 =	vmul.f32 v7, v3;
	v7 =	vld.idx.msk [tilespmem:v8+s13+$0x0], $0xffff  }
0x2c1: {  	v2 =	vadd.f32 v4, v2;
	v4 =	vld.idx.msk [tilespmem:v8+s12+$0x0], $0xffff;
	v8 =	vor.u32 v55, v1  }
0x2c2: {  	v5 =	vmul.f32 v9, v5;
	v9 =	vld.idx.msk [tilespmem:v10+s13+$0x0], $0xffff  }
0x2c3: {  	v2 =	vadd.f32 v3, v2;
	v3 =	vld.idx.msk [tilespmem:v10+s12+$0x0], $0xffff;
	v10 =	vor.u32 v56, v1  }
0x2c4: {  	v6 =	vmul.f32 v11, v6;
	v11 =	vld.idx.msk [tilespmem:v12+s13+$0x0], $0xffff  }
0x2c5: {  	v2 =	vadd.f32 v5, v2;
	v5 =	vld.idx.msk [tilespmem:v12+s12+$0x0], $0xffff;
	v12 =	vor.u32 v28, v1  }
0x2c6: {  	v4 =	vmul.f32 v7, v4;
	v7 =	vld.idx.msk [tilespmem:v8+s13+$0x0], $0xffff  }
0x2c7: {  	v2 =	vadd.f32 v6, v2;
	v6 =	vld.idx.msk [tilespmem:v8+s12+$0x0], $0xffff;
	v8 =	vor.u32 v40, v1  }
0x2c8: {  	v3 =	vmul.f32 v9, v3;
	v9 =	vld.idx.msk [tilespmem:v10+s13+$0x0], $0xffff  }
0x2c9: {  	v2 =	vadd.f32 v4, v2;
	v4 =	vld.idx.msk [tilespmem:v10+s12+$0x0], $0xffff;
	v10 =	vor.u32 v30, v1  }
0x2ca: {  	v5 =	vmul.f32 v11, v5;
	v11 =	vld.idx.msk [tilespmem:v12+s13+$0x0], $0xffff  }
0x2cb: {  	v2 =	vadd.f32 v3, v2;
	v3 =	vld.idx.msk [tilespmem:v12+s12+$0x0], $0xffff;
	v12 =	vor.u32 v42, v1  }
0x2cc: {  	v6 =	vmul.f32 v7, v6;
	v7 =	vld.idx.msk [tilespmem:v8+s13+$0x0], $0xffff  }
0x2cd: {  	v2 =	vadd.f32 v5, v2;
	v5 =	vld.idx.msk [tilespmem:v8+s12+$0x0], $0xffff;
	v8 =	vor.u32 v22, v1  }
0x2ce: {  	v4 =	vmul.f32 v9, v4;
	v9 =	vld.idx.msk [tilespmem:v10+s13+$0x0], $0xffff  }
0x2cf: {  	v2 =	vadd.f32 v6, v2;
	v6 =	vld.idx.msk [tilespmem:v10+s12+$0x0], $0xffff;
	v10 =	vor.u32 v60, v1  }
0x2d0: {  	v3 =	vmul.f32 v11, v3;
	v11 =	vld.idx.msk [tilespmem:v12+s13+$0x0], $0xffff  }
0x2d1: {  	v2 =	vadd.f32 v4, v2;
	v4 =	vld.idx.msk [tilespmem:v12+s12+$0x0], $0xffff;
	v12 =	vor.u32 v57, v1  }
0x2d2: {  	v5 =	vmul.f32 v7, v5;
	v7 =	vld.idx.msk [tilespmem:v8+s13+$0x0], $0xffff  }
0x2d3: {  	v2 =	vadd.f32 v3, v2;
	v3 =	vld.idx.msk [tilespmem:v8+s12+$0x0], $0xffff;
	v8 =	vor.u32 v33, v1  }
0x2d4: {  	v6 =	vmul.f32 v9, v6;
	v9 =	vld.idx.msk [tilespmem:v10+s13+$0x0], $0xffff  }
0x2d5: {  	v2 =	vadd.f32 v5, v2;
	v5 =	vld.idx.msk [tilespmem:v10+s12+$0x0], $0xffff;
	v10 =	vor.u32 v25, v1  }
0x2d6: {  	v4 =	vmul.f32 v11, v4;
	v11 =	vld.idx.msk [tilespmem:v12+s13+$0x0], $0xffff  }
0x2d7: {  	v2 =	vadd.f32 v6, v2;
	v6 =	vld.idx.msk [tilespmem:v12+s12+$0x0], $0xffff;
	v12 =	vor.u32 v39, v1  }
0x2d8: {  	v3 =	vmul.f32 v7, v3;
	v7 =	vld.idx.msk [tilespmem:v8+s13+$0x0], $0xffff  }
0x2d9: {  	v2 =	vadd.f32 v4, v2;
	v4 =	vld.idx.msk [tilespmem:v8+s12+$0x0], $0xffff;
	v8 =	vor.u32 v29, v1  }
0x2da: {  	v5 =	vmul.f32 v9, v5;
	v9 =	vld.idx.msk [tilespmem:v10+s13+$0x0], $0xffff  }
0x2db: {  	v2 =	vadd.f32 v3, v2;
	v3 =	vld.idx.msk [tilespmem:v10+s12+$0x0], $0xffff  }
0x2dc: {  	v10 =	vor.u32 v37, v1;
	v6 =	vmul.f32 v11, v6;
	v11 =	vld.idx.msk [tilespmem:v12+s13+$0x0], $0xffff  }
0x2dd: {  	v2 =	vadd.f32 v5, v2;
	v5 =	vld.idx.msk [tilespmem:v12+s12+$0x0], $0xffff  }
0x2de: {  	v4 =	vmul.f32 v7, v4;
	v7 =	vld.idx.msk [tilespmem:v8+s13+$0x0], $0xffff  }
0x2df: {  	v12 =	vor.u32 v14, v1;
	v2 =	vadd.f32 v6, v2;
	v6 =	vld.idx.msk [tilespmem:v8+s12+$0x0], $0xffff  }
0x2e0: {  	v8 =	vld [tilespmem:$0x1FE00]  }
0x2e1: {  	v3 =	vmul.f32 v9, v3;
	v9 =	vld.idx.msk [tilespmem:v10+s13+$0x0], $0xffff  }
0x2e2: {  	v2 =	vadd.f32 v4, v2;
	v4 =	vld.idx.msk [tilespmem:v10+s12+$0x0], $0xffff  }
0x2e3: {  	v10 =	vld [tilespmem:$0x1FE10]  }
0x2e4: {  	v5 =	vmul.f32 v11, v5;
	v11 =	vld.idx.msk [tilespmem:v12+s13+$0x0], $0xffff  }
0x2e5: {  	v2 =	vadd.f32 v3, v2;
	v3 =	vld.idx.msk [tilespmem:v12+s12+$0x0], $0xffff  }
0x2e6: {  	v12 =	vld [tilespmem:$0x1FE20]  }
0x2e7: {  	v8 =	vor.u32 v8, v1;
	_ =	sdelay $0x1  }
0x2e8: {  	v10 =	vor.u32 v10, v1;
	_ =	sdelay $0x1  }
0x2e9: {  	v0 =	vld [tilespmem:$0x1FCB0];
	v12 =	vor.u32 v12, v1  }
0x2ea: {  	v6 =	vmul.f32 v7, v6;
	v2 =	vadd.f32 v5, v2;
	v5 =	vld.idx.msk [tilespmem:v8+s12+$0x0], $0xffff  }
0x2eb: {  	v7 =	vld.idx.msk [tilespmem:v8+s13+$0x0], $0xffff  }
0x2ec: {  	v4 =	vmul.f32 v9, v4;
	v2 =	vadd.f32 v6, v2;
	v6 =	vld.idx.msk [tilespmem:v10+s12+$0x0], $0xffff  }
0x2ed: {  	v9 =	vld.idx.msk [tilespmem:v10+s13+$0x0], $0xffff  }
0x2ee: {  	v2 =	vadd.f32 v4, v2;
	v10 =	vor.u32 v51, v1;
	v4 =	vld.idx.msk [tilespmem:v12+s12+$0x0], $0xffff  }
0x2ef: {  	v3 =	vmul.f32 v11, v3;
	v11 =	vld.idx.msk [tilespmem:v12+s13+$0x0], $0xffff  }
0x2f0: {  	v12 =	vor.u32 v0, v1;
	v0 =	vld [tilespmem:$0x1FCC0]  }
0x2f1: {  	v8 =	vor.u32 v52, v1;
	v2 =	vadd.f32 v3, v2;
	v5 =	vmul.f32 v7, v5;
	_ =	sdelay $0x1  }
0x2f2: {  	v2 =	vadd.f32 v5, v2;
	v5 =	vmul.f32 v9, v6;
	v6 =	vld.idx.msk [tilespmem:v10+s12+$0x0], $0xffff  }
0x2f3: {  	v9 =	vld.idx.msk [tilespmem:v10+s13+$0x0], $0xffff  }
0x2f4: {  	v10 =	vor.u32 v0, v1;
	v0 =	vld [tilespmem:$0x1FCD0]  }
0x2f5: {  	v3 =	vld.idx.msk [tilespmem:v8+s12+$0x0], $0xffff  }
0x2f6: {  	v7 =	vld.idx.msk [tilespmem:v8+s13+$0x0], $0xffff  }
0x2f7: {  	v8 =	vor.u32 v45, v1;
	v2 =	vadd.f32 v5, v2;
	v5 =	vld.idx.msk [tilespmem:v12+s12+$0x0], $0xffff  }
0x2f8: {  	v4 =	vmul.f32 v11, v4;
	v11 =	vld.idx.msk [tilespmem:v12+s13+$0x0], $0xffff  }
0x2f9: {  	v12 =	vor.u32 v0, v1;
	v0 =	vld [tilespmem:$0x1FCE0];
	_ =	sdelay $0x2  }
0x2fa: {  	v3 =	vmul.f32 v7, v3;
	v7 =	vld.idx.msk [tilespmem:v8+s13+$0x0], $0xffff  }
0x2fb: {  	v2 =	vadd.f32 v4, v2;
	v4 =	vld.idx.msk [tilespmem:v8+s12+$0x0], $0xffff  }
0x2fc: {  	v8 =	vor.u32 v0, v1;
	v0 =	vld [tilespmem:$0x1FCF0];
	_ =	sdelay $0x2  }
0x2fd: {  	v2 =	vadd.f32 v3, v2;
	v3 =	vmul.f32 v9, v6;
	v6 =	vld.idx.msk [tilespmem:v10+s12+$0x0], $0xffff  }
0x2fe: {  	v9 =	vld.idx.msk [tilespmem:v10+s13+$0x0], $0xffff  }
0x2ff: {  	v5 =	vmul.f32 v11, v5;
	v2 =	vadd.f32 v3, v2;
	v3 =	vld.idx.msk [tilespmem:v12+s12+$0x0], $0xffff;
	v10 =	vor.u32 v0, v1  }
0x300: {  	v11 =	vld.idx.msk [tilespmem:v12+s13+$0x0], $0xffff  }
0x301: {  	v2 =	vadd.f32 v5, v2;
	v5 =	vld.idx.msk [tilespmem:v8+s12+$0x0], $0xffff  }
0x302: {  	v4 =	vmul.f32 v7, v4;
	v12 =	vor.u32 v50, v1;
	v0 =	vld [tilespmem:$0x1FD00]  }
0x303: {  	v7 =	vld.idx.msk [tilespmem:v8+s13+$0x0], $0xffff  }
0x304: {  	v2 =	vadd.f32 v4, v2;
	v4 =	vmul.f32 v9, v6;
	v8 =	vor.u32 v26, v1;
	v6 =	vld.idx.msk [tilespmem:v10+s12+$0x0], $0xffff  }
0x305: {  	v9 =	vld.idx.msk [tilespmem:v10+s13+$0x0], $0xffff;
	_ =	sdelay $0x1  }
0x306: {  	v2 =	vadd.f32 v4, v2;
	v4 =	vld.idx.msk [tilespmem:v12+s12+$0x0], $0xffff;
	v3 =	vmul.f32 v11, v3;
	v0 =	vor.u32 v0, v1  }
0x307: {  	v10 =	vld.idx.msk [tilespmem:v12+s13+$0x0], $0xffff  }
0x308: {  	v11 =	vor.u32 v27, v1;
	v2 =	vadd.f32 v3, v2;
	v12 =	vmov v20;
	v3 =	vld.idx.msk [tilespmem:v8+s12+$0x0], $0xffff  }
0x309: {  	v5 =	vmul.f32 v7, v5;
	v20 =	vmovc v48;
	v6 =	vmul.f32 v9, v6;
	v9 =	vor.u32 v48, v1;
	v48 =	vld [tilespmem:$0x1FE60]  }
0x30a: {  	v7 =	vld.idx.msk [tilespmem:v8+s13+$0x0], $0xffff;
	v8 =	vor.u32 v41, v1  }
0x30b: {  	v2 =	vadd.f32 v5, v2;
	v5 =	vld.idx.msk [tilespmem:v0+s12+$0x0], $0xffff  }
0x30c: {  	v0 =	vld.idx.msk [tilespmem:v0+s13+$0x0], $0xffff  }
0x30d: {  	v4 =	vmul.f32 v10, v4;
	v10 =	vld.idx.msk [tilespmem:v11+s13+$0x0], $0xffff;
	v2 =	vadd.f32 v6, v2  }
0x30e: {  	v6 =	vld.idx.msk [tilespmem:v11+s12+$0x0], $0xffff;
	v1 =	vor.u32 v48, v1  }
0x30f: {  	v3 =	vmul.f32 v7, v3;
	v7 =	vld.idx.msk [tilespmem:v8+s13+$0x0], $0xffff;
	v2 =	vadd.f32 v4, v2  }
0x310: {  	v4 =	vld.idx.msk [tilespmem:v8+s12+$0x0], $0xffff  }
0x311: {  	v0 =	vmul.f32 v0, v5;
	v5 =	vld.idx.msk [tilespmem:v9+s13+$0x0], $0xffff;
	v2 =	vadd.f32 v3, v2  }
0x312: {  	v3 =	vld.idx.msk [tilespmem:v9+s12+$0x0], $0xffff  }
0x313: {  	v0 =	vadd.f32 v0, v2;
	v2 =	vmul.f32 v10, v6;
	v6 =	vld.idx.msk [tilespmem:v1+s12+$0x0], $0xffff  }
0x314: {  	v1 =	vld.idx.msk [tilespmem:v1+s13+$0x0], $0xffff  }
0x315: {  	v0 =	vadd.f32 v2, v0;
	v2 =	vmul.f32 v7, v4;
	_ =	sdelay $0x1  }
0x316: {  	v0 =	vadd.f32 v2, v0;
	v2 =	vmul.f32 v5, v3;
	_ =	sdelay $0x1  }
0x317: {  	v0 =	vadd.f32 v2, v0;
	v1 =	vmul.f32 v1, v6;
	_ =	sdelay $0x1  }
0x318: {  	v0 =	vadd.f32 v1, v0;
	_ =	sdelay $0x1  }
0x319: {  	v0 =	vsub.f32 $0.0e+00, v0;
	_ =	sdelay $0x1  }
0x31a: {  	v0 =	vmul.f32 $1.442695020e+00, v0;
	_ =	sdelay $0x1  }
0x31b: {  	(erf) = vpow2.f32 v0;
	_ =	sdelay $0x8  }
0x31c: {  	v0 =	vpop (erf)  }
0x31d: {  	v0 =	vadd.f32 $1.000000000e+00, v0;
	_ =	sdelay $0x1  }
0x31e: {  	(erf) = vrcp.f32 v0;
	_ =	sdelay $0x3  }
0x31f: {  	s18 =	sadd.s32 $0x1, s18  }
0x320: {  	p0 =	sne.s32 s18, $0x4;
	v46 =	vmov v36  }
.Ltmp1:
0x321: {  	v11 =	vmovc v32;
	v8 =	vmovc v18;
	v18 =	vld [tilespmem:$0x1FED0];
	v9 =	vmov v62;
	v62 =	vmov v31;
	v31 =	vmov v60;
	(pc) =	sbr.rel @p0 .LBB2_2-.Ltmp1, $4  }
0x322: {  	v10 =	vmovc v19;
	v19 =	vld [tilespmem:$0x1FEB0];
	v4 =	vmovc v15;
	v7 =	vmov v47;
	v47 =	vmov v63;
	v63 =	vmov v24  }
0x323: {  	v15 =	vld [tilespmem:$0x1FEC0];
	v24 =	vmovc v41;
	v41 =	vmovc v14;
	v5 =	vmov v16;
	v3 =	vmov v38;
	v38 =	vmov v51  }
0x324: {  	s19 =	sadd.s32 $0x10, s19;
	v16 =	vld [tilespmem:$0x1FE90];
	v6 =	vmov v17;
	v17 =	vmov v61;
	v2 =	vmov v59;
	v0 =	vpop (erf)  }
0x325: {  	s17 =	sadd.s32 $0x80, s17;
	v1 =	vld [tilespmem:$0x1FE50];
	[tilespmem:s19+$0x0] =	vst v0;
	v0 =	vmovc v44;
	v44 =	vmovc v42;
	v42 =	vmov v20;
	v20 =	vmov v33;
	v33 =	vmov v39  }
0x326: {  	s16 =	sadd.s32 $0x1, s16  }
0x327: {  	p0 =	sne.s32 s16, s8  }
.Ltmp2:
0x328: {  	_ = 	snop;
	(pc) =	sbr.rel @p0 .LBB2_1-.Ltmp2, $4  }
0x329: {  	[hbm4b:s7+s1] =	stream.linear.scatter [tilespmem:s15], [sflag:$0x2], $0x200, $0x38;
	[tilespmem:$0x8600] =	vst v63  }
0x32a: {  	_ =	swait.ge [sflag:s9], $0x200  }
0x32b: {  	v36 =	vmov v50;
	[sflag:s9] =	ssyncset.done $0x0  }
0x32c: {  	v59 =	vmovc v44;
	v61 =	vmovc v40;
	v51 =	vmov v2;
	v60 =	vmov v47;
	v44 =	vmov v0;
	[sflag:s9] =	ssyncadd.s32 $0xFFFFFE00  }
0x32d: {  	_ =	sfence.sel $0x180000  }
0x32e: {  	[bflag:$0x0] =	sbarrier.arrive $0xFFFF  }
0x32f: {  	p0 =	sne.s32 s2, $0x0;
	_ =	strace $0x90000047  }
0x330: {  	s0 =	sadd.s32 @!p0 $0x100000, s0;
	[bflag:$0x2] =	sbarrier.arrive $0xFFFF  }
0x331: {  	[sflag:s0] =	ssyncadd.tile.s32 @!p0 $0x1;
	_ =	shalt  }
.Lfunc_end2:
_tile_overlayer_lowered:
.L_overlay_start_2:
0x332: {  	(tag) =	ssettag $0x2  }
0x333: {  	s0 =	rddreg [dreg:$0x0];
	s2 =	stileid.u32  }
0x334: {  	s1 =	rddreg [dreg:$0x1];
	p0 =	sne.s32 s2, $0x0  }
0x335: {  	s3 =	rddreg [dreg:$0x2];
	[bflag:$0x3] =	sbarrier.arrive $0xFFFF;
	s2 =	simm.s32 @!p0 $0x1C02  }
0x336: {  	[timem:s3], [sflag:s2] =	dma.local @!p0 [hbm:s0], s1  }
0x337: {  	s0 =	simm.s32 @!p0 $0x2  }
0x338: {  	_ =	swait.ge @!p0 [sflag:s0], s1  }
0x339: {  	s1 =	ssub.s32 @!p0 $0x0, s1;
	[sflag:s0] =	ssyncset.done @!p0 $0x0  }
0x33a: {  	[sflag:s0] =	ssyncadd.s32 @!p0 s1  }
0x33b: {  	[bflag:$0x3] =	sbarrier.arrive $0xFFFF  }
0x33c: {  	_ =	shalt  }

</sc_bundles>
